<compile_context>
chip_gen: v7x
topology: tpu7x:2x2x1
jax: 0.10.2.dev20260603
libtpu: 0.0.44.dev20260713+nightly
codegen_flags: <defaults>
</compile_context>

<pallas_src>
import jax
import jax.numpy as jnp
from jax import lax
from jax.experimental import pallas as pl
from jax.experimental.pallas import tpu as pltpu
from jax.experimental.pallas import tpu_sc as plsc

N = 20000
NP = 20480
MAX_DET = 100
CONF_THRES = 0.2
IOU_THRES = 0.4
NEG_INF = float("-inf")

L = 16
NTILES = 16
PER = NP // NTILES
NV = PER // L


def _lane_iota():
    return lax.broadcasted_iota(jnp.int32, (L,), 0)


def _splat(x, dtype=jnp.float32):
    return jnp.broadcast_to(jnp.asarray(x, dtype), (L,))


def _nms_sc_body(x1_hbm, y1_hbm, x2_hbm, y2_hbm, s_hbm, out_hbm,
                 x1_v, y1_v, x2_v, y2_v, ms_v, rec_v, cand_v, out_v,
                 shared, shared_b):
    wid = lax.axis_index("s")
    base = wid * PER
    lane = _lane_iota()

    pltpu.sync_copy(x1_hbm.at[pl.ds(base, PER)], x1_v)
    pltpu.sync_copy(y1_hbm.at[pl.ds(base, PER)], y1_v)
    pltpu.sync_copy(x2_hbm.at[pl.ds(base, PER)], x2_v)
    pltpu.sync_copy(y2_hbm.at[pl.ds(base, PER)], y2_v)
    pltpu.sync_copy(s_hbm.at[pl.ds(base, PER)], ms_v)

    def maxpass(k, acc):
        return jnp.maximum(acc, ms_v[pl.ds(k * L, L)])

    smax_vec = lax.fori_loop(0, NV, maxpass, _splat(NEG_INF))
    smax = jnp.max(smax_vec)
    rec_v[...] = jnp.broadcast_to(smax, (L,))
    pltpu.sync_copy(rec_v, shared.at[pl.ds(wid * L, L)])
    plsc.subcore_barrier()
    pltpu.sync_copy(shared, cand_v)
    plsc.subcore_barrier()
    col0 = plsc.load_gather(cand_v, [lane * L])
    any_above = jnp.max(col0) > CONF_THRES

    def actpass(k, _):
        sl = pl.ds(k * L, L)
        sv = ms_v[sl]
        dw = x2_v[sl] - x1_v[sl]
        dh = y2_v[sl] - y1_v[sl]
        act = ((sv > CONF_THRES) | jnp.logical_not(any_above)) \
            & (dw >= 1.0) & (dh >= 1.0)
        ms_v[sl] = jnp.where(act, sv, NEG_INF)
        return 0

    lax.fori_loop(0, NV, actpass, 0)

    @pl.when(wid == 0)
    def _():
        def zpass(k, _):
            out_v[pl.ds(k * L, L)] = jnp.zeros((L,), jnp.float32)
            return 0
        lax.fori_loop(0, 64, zpass, 0)

    def round_step(i, box):
        bx1, by1, bx2, by2 = box
        barea = (bx2 - bx1) * (by2 - by1)

        UNR = 4
        def fused(k, carry):
            new = []
            for j in range(UNR):
                mx, mi = carry[2 * j], carry[2 * j + 1]
                kg = k * UNR + j
                sl = pl.ds(kg * L, L)
                x1 = x1_v[sl]
                y1 = y1_v[sl]
                x2 = x2_v[sl]
                y2 = y2_v[sl]
                area = (x2 - x1) * (y2 - y1)
                ix1 = jnp.maximum(bx1, x1)
                iy1 = jnp.maximum(by1, y1)
                ix2 = jnp.minimum(bx2, x2)
                iy2 = jnp.minimum(by2, y2)
                inter = jnp.clip(ix2 - ix1, 0.0) * jnp.clip(iy2 - iy1, 0.0)
                iou = inter / (barea + area - inter + 1e-9)
                msv = jnp.where(iou > IOU_THRES, NEG_INF, ms_v[sl])
                ms_v[sl] = msv
                take = msv > mx
                mx = jnp.where(take, msv, mx)
                mi = jnp.where(take, jnp.broadcast_to(kg, (L,)), mi)
                new += [mx, mi]
            return tuple(new)

        init = (_splat(NEG_INF), jnp.zeros((L,), jnp.int32)) * UNR
        acc = lax.fori_loop(0, NV // UNR, fused, init)
        mx, gi = acc[0], acc[1] * L + lane
        for j in range(1, UNR):
            mxj, gij = acc[2 * j], acc[2 * j + 1] * L + lane
            takej = (mxj > mx) | ((mxj == mx) & (gij < gi))
            mx = jnp.where(takej, mxj, mx)
            gi = jnp.where(takej, gij, gi)

        m_loc = jnp.max(mx)
        j_loc = jnp.min(jnp.where(mx == m_loc, base + gi, jnp.int32(2**30)))
        lidx = jnp.broadcast_to(jnp.clip(j_loc - base, 0, PER - 1), (L,))
        cx1 = plsc.load_gather(x1_v, [lidx])
        cy1 = plsc.load_gather(y1_v, [lidx])
        cx2 = plsc.load_gather(x2_v, [lidx])
        cy2 = plsc.load_gather(y2_v, [lidx])

        rec = jnp.where(lane == 0, jnp.broadcast_to(m_loc, (L,)),
              jnp.where(lane == 1, jnp.broadcast_to(
                  j_loc.astype(jnp.float32), (L,)),
              jnp.where(lane == 2, cx1,
              jnp.where(lane == 3, cy1,
              jnp.where(lane == 4, cx2, cy2)))))
        rec_v[...] = rec

        @pl.when(i % 2 == 0)
        def _():
            pltpu.sync_copy(rec_v, shared.at[pl.ds(wid * L, L)])
            plsc.subcore_barrier()
            pltpu.sync_copy(shared, cand_v)

        @pl.when(i % 2 == 1)
        def _():
            pltpu.sync_copy(rec_v, shared_b.at[pl.ds(wid * L, L)])
            plsc.subcore_barrier()
            pltpu.sync_copy(shared_b, cand_v)

        def col(c):
            return plsc.load_gather(cand_v, [lane * L + c])

        mvec = col(0)
        jvec = col(1)
        m_g = jnp.max(mvec)
        valid = m_g > NEG_INF
        eq = mvec == m_g
        j_g = jnp.min(jnp.where(eq, jvec, jnp.float32(1e30)))
        j_gi = jnp.clip(j_g, 0.0, float(NP - 1)).astype(jnp.int32)
        wbase = (j_gi // PER) * L
        wx1 = plsc.load_gather(cand_v, [jnp.broadcast_to(wbase + 2, (L,))])
        wy1 = plsc.load_gather(cand_v, [jnp.broadcast_to(wbase + 3, (L,))])
        wx2 = plsc.load_gather(cand_v, [jnp.broadcast_to(wbase + 4, (L,))])
        wy2 = plsc.load_gather(cand_v, [jnp.broadcast_to(wbase + 5, (L,))])

        @pl.when(wid == 0)
        def _():
            vf = jnp.where(valid, jnp.float32(1.0), jnp.float32(0.0))
            msk = lane == 0
            vals = (wx1 * vf, wy1 * vf, wx2 * vf, wy2 * vf,
                    jnp.broadcast_to(
                        jnp.where(valid, m_g, jnp.float32(0.0)), (L,)), vf)
            for r, val in enumerate(vals):
                idx = [jnp.broadcast_to(r * 128 + i, (L,))]
                plsc.store_scatter(
                    out_v, idx, jnp.broadcast_to(val, (L,)), mask=msk)

        return wx1, wy1, wx2, wy2

    z = jnp.zeros((L,), jnp.float32)
    lax.fori_loop(0, MAX_DET, round_step, (z, z, z, z))

    @pl.when(wid == 0)
    def _():
        pltpu.sync_copy(out_v, out_hbm)


@jax.jit
def kernel(boxes, scores):
    boxes_p = jnp.pad(boxes, ((0, NP - N), (0, 0)))
    scores_p = jnp.pad(scores, (0, NP - N))
    x1 = boxes_p[:, 0]
    y1 = boxes_p[:, 1]
    x2 = boxes_p[:, 2]
    y2 = boxes_p[:, 3]

    mesh = plsc.VectorSubcoreMesh(
        core_axis_name="c", subcore_axis_name="s", num_cores=1,
        num_subcores=NTILES)
    f32 = jnp.float32
    out = pl.kernel(
        _nms_sc_body,
        out_type=jax.ShapeDtypeStruct((1024,), f32),
        mesh=mesh,
        scratch_types=[
            pltpu.VMEM((PER,), f32),
            pltpu.VMEM((PER,), f32),
            pltpu.VMEM((PER,), f32),
            pltpu.VMEM((PER,), f32),
            pltpu.VMEM((PER,), f32),
            pltpu.VMEM((L,), f32),
            pltpu.VMEM((NTILES * L,), f32),
            pltpu.VMEM((1024,), f32),
            pltpu.VMEM_SHARED((NTILES * L,), f32),
            pltpu.VMEM_SHARED((NTILES * L,), f32),
        ],
        compiler_params=pltpu.CompilerParams(needs_layout_passes=False),
    )(x1, y1, x2, y2, scores_p)
    out = out.reshape(8, 128)

    kept_boxes = jnp.stack(
        [out[0, :MAX_DET], out[1, :MAX_DET], out[2, :MAX_DET], out[3, :MAX_DET]],
        axis=1)
    kept_scores = out[4, :MAX_DET]
    selmask = out[5, :MAX_DET] > 0.5
    return kept_boxes, kept_scores, selmask

# --- scband reference (transcript-rebuilt; emitter-appended) ---
"""Pipeline reference for scband-attention-59450937312095 (READ-ONLY COPY).

The authoritative reference and input builder live on the scoring server;
editing this copy changes nothing except your own understanding.
"""

import jax, jax.numpy as jnp
import numpy as np

N = 20000
MAX_DET = 100
CONF_THRES = 0.2
IOU_THRES = 0.4


def setup_inputs(seed: int = 0) -> dict:
    key = jax.random.key(seed)
    k1, k2, k3 = jax.random.split(key, 3)
    xy = jax.random.uniform(k1, (N, 2), dtype=jnp.float32) * 480.0
    wh = jax.random.uniform(k2, (N, 2), dtype=jnp.float32) * 30.0 + 1.0
    boxes = jnp.concatenate([xy, xy + wh], axis=1)
    scores = jax.random.uniform(k3, (N,), dtype=jnp.float32)
    return {"boxes": boxes, "scores": scores}


def _iou_one_to_many(box, boxes):
    x1 = jnp.maximum(box[0], boxes[:, 0])
    y1 = jnp.maximum(box[1], boxes[:, 1])
    x2 = jnp.minimum(box[2], boxes[:, 2])
    y2 = jnp.minimum(box[3], boxes[:, 3])
    inter = jnp.clip(x2 - x1, 0.0) * jnp.clip(y2 - y1, 0.0)
    area1 = (box[2] - box[0]) * (box[3] - box[1])
    area2 = (boxes[:, 2] - boxes[:, 0]) * (boxes[:, 3] - boxes[:, 1])
    return inter / (area1 + area2 - inter + 1e-9)


def reference(boxes, scores):
    # conf thresholding, with the module's fallback: if nothing passes
    # conf_thres, fall back to conf_thres=0.0 (keep everything)
    above = scores > CONF_THRES
    any_above = jnp.any(above)
    active = jnp.where(any_above, above, jnp.ones_like(above))
    # tiny_filter: drop degenerate boxes (w < 1 or h < 1)
    dw = boxes[:, 2] - boxes[:, 0]
    dh = boxes[:, 3] - boxes[:, 1]
    active = active & (dw >= 1.0) & (dh >= 1.0)
    # greedy NMS, up to MAX_DET detections
    sel_idx = []
    valids = []
    for _ in range(MAX_DET):
        ms = jnp.where(active, scores, -jnp.inf)
        j = jnp.argmax(ms)
        valid = ms[j] > -jnp.inf
        ious = _iou_one_to_many(boxes[j], boxes)
        # suppress everything overlapping the picked box (incl. itself, IoU=1)
        active = active & (ious <= IOU_THRES)
        sel_idx.append(jnp.where(valid, j, 0))
        valids.append(valid)
    sel = jnp.stack(sel_idx)
    selmask = jnp.stack(valids)
    kept_boxes = jnp.take(boxes, sel, axis=0) * selmask[:, None].astype(boxes.dtype)
    kept_scores = jnp.take(scores, sel) * selmask.astype(scores.dtype)
    return kept_boxes, kept_scores, selmask

if __name__ == "__main__":
    import jax
    _d = setup_inputs()
    print(jax.jit(kernel)(*tuple(_d.values())))

</pallas_src>

<mosaic_0001>
#map = affine_map<(d0, d1) -> (0)>
module attributes {stable_mosaic.version = 14 : i64} {
  func.func @_nms_sc_body(%arg0: i32, %arg1: i32, %arg2: memref<20480xf32, #tpu.memory_space<hbm>>, %arg3: memref<20480xf32, #tpu.memory_space<hbm>>, %arg4: memref<20480xf32, #tpu.memory_space<hbm>>, %arg5: memref<20480xf32, #tpu.memory_space<hbm>>, %arg6: memref<20480xf32, #tpu.memory_space<hbm>>, %arg7: memref<1024xf32, #tpu.memory_space<hbm>>, %arg8: memref<1280xf32, #tpu.memory_space<vmem>>, %arg9: memref<1280xf32, #tpu.memory_space<vmem>>, %arg10: memref<1280xf32, #tpu.memory_space<vmem>>, %arg11: memref<1280xf32, #tpu.memory_space<vmem>>, %arg12: memref<1280xf32, #tpu.memory_space<vmem>>, %arg13: memref<16xf32, #tpu.memory_space<vmem>>, %arg14: memref<256xf32, #tpu.memory_space<vmem>>, %arg15: memref<1024xf32, #tpu.memory_space<vmem>>, %arg16: memref<256xf32, #tpu.memory_space<vmem_shared>>, %arg17: memref<256xf32, #tpu.memory_space<vmem_shared>>) attributes {dimension_semantics = [#tpu.dimension_semantics<core_parallel>, #tpu.dimension_semantics<subcore_parallel>], iteration_bounds = array<i64: 1, 16>, scalar_prefetch = 0 : i64, scratch_operands = 10 : i64, tpu.core_type = #tpu.core_type<sc_vector_subcore>, window_params = [{transform_indices = #map}, {transform_indices = #map}, {transform_indices = #map}, {transform_indices = #map}, {transform_indices = #map}, {transform_indices = #map}]} {
    %mul3A = arith.constant 1280 : i32
    %mul3A_0 = arith.muli %arg1, %mul3A : i32
    %iota3A = tpu.iota {dimensions = array<i32: 0>} : vector<16xi32>
    "tpu.region"() ({
      %run_scoped3A = tpu.sem_alloc : memref<!tpu.dma_semaphore, #tpu.memory_space<semaphore_mem>>
      %dma_start3A = tpu.memref_slice %arg2[%mul3A_0] : memref<20480xf32, #tpu.memory_space<hbm>> -> memref<1280xf32, #tpu.memory_space<hbm>>
      %dma_start3A_45 = tpu.memref_slice %arg2[%mul3A_0] : memref<20480xf32, #tpu.memory_space<hbm>> -> memref<1280xf32, #tpu.memory_space<hbm>>
      tpu.enqueue_dma source(%dma_start3A_45 : memref<1280xf32, #tpu.memory_space<hbm>>) target(%arg8 : memref<1280xf32, #tpu.memory_space<vmem>>) target_semaphore(%run_scoped3A : memref<!tpu.dma_semaphore, #tpu.memory_space<semaphore_mem>>)
      %dma_wait3A = tpu.memref_slice %arg2[%mul3A_0] : memref<20480xf32, #tpu.memory_space<hbm>> -> memref<1280xf32, #tpu.memory_space<hbm>>
      %dma_wait3A_46 = tpu.memref_slice %arg2[%mul3A_0] : memref<20480xf32, #tpu.memory_space<hbm>> -> memref<1280xf32, #tpu.memory_space<hbm>>
      tpu.wait_dma2 semaphore(%run_scoped3A : memref<!tpu.dma_semaphore, #tpu.memory_space<semaphore_mem>>) src(%dma_wait3A_46 : memref<1280xf32, #tpu.memory_space<hbm>>) dst(%arg8 : memref<1280xf32, #tpu.memory_space<vmem>>)
      tpu.yield
    }) : () -> ()
    "tpu.region"() ({
      %run_scoped3A = tpu.sem_alloc : memref<!tpu.dma_semaphore, #tpu.memory_space<semaphore_mem>>
      %dma_start3A = tpu.memref_slice %arg3[%mul3A_0] : memref<20480xf32, #tpu.memory_space<hbm>> -> memref<1280xf32, #tpu.memory_space<hbm>>
      %dma_start3A_45 = tpu.memref_slice %arg3[%mul3A_0] : memref<20480xf32, #tpu.memory_space<hbm>> -> memref<1280xf32, #tpu.memory_space<hbm>>
      tpu.enqueue_dma source(%dma_start3A_45 : memref<1280xf32, #tpu.memory_space<hbm>>) target(%arg9 : memref<1280xf32, #tpu.memory_space<vmem>>) target_semaphore(%run_scoped3A : memref<!tpu.dma_semaphore, #tpu.memory_space<semaphore_mem>>)
      %dma_wait3A = tpu.memref_slice %arg3[%mul3A_0] : memref<20480xf32, #tpu.memory_space<hbm>> -> memref<1280xf32, #tpu.memory_space<hbm>>
      %dma_wait3A_46 = tpu.memref_slice %arg3[%mul3A_0] : memref<20480xf32, #tpu.memory_space<hbm>> -> memref<1280xf32, #tpu.memory_space<hbm>>
      tpu.wait_dma2 semaphore(%run_scoped3A : memref<!tpu.dma_semaphore, #tpu.memory_space<semaphore_mem>>) src(%dma_wait3A_46 : memref<1280xf32, #tpu.memory_space<hbm>>) dst(%arg9 : memref<1280xf32, #tpu.memory_space<vmem>>)
      tpu.yield
    }) : () -> ()
    "tpu.region"() ({
      %run_scoped3A = tpu.sem_alloc : memref<!tpu.dma_semaphore, #tpu.memory_space<semaphore_mem>>
      %dma_start3A = tpu.memref_slice %arg4[%mul3A_0] : memref<20480xf32, #tpu.memory_space<hbm>> -> memref<1280xf32, #tpu.memory_space<hbm>>
      %dma_start3A_45 = tpu.memref_slice %arg4[%mul3A_0] : memref<20480xf32, #tpu.memory_space<hbm>> -> memref<1280xf32, #tpu.memory_space<hbm>>
      tpu.enqueue_dma source(%dma_start3A_45 : memref<1280xf32, #tpu.memory_space<hbm>>) target(%arg10 : memref<1280xf32, #tpu.memory_space<vmem>>) target_semaphore(%run_scoped3A : memref<!tpu.dma_semaphore, #tpu.memory_space<semaphore_mem>>)
      %dma_wait3A = tpu.memref_slice %arg4[%mul3A_0] : memref<20480xf32, #tpu.memory_space<hbm>> -> memref<1280xf32, #tpu.memory_space<hbm>>
      %dma_wait3A_46 = tpu.memref_slice %arg4[%mul3A_0] : memref<20480xf32, #tpu.memory_space<hbm>> -> memref<1280xf32, #tpu.memory_space<hbm>>
      tpu.wait_dma2 semaphore(%run_scoped3A : memref<!tpu.dma_semaphore, #tpu.memory_space<semaphore_mem>>) src(%dma_wait3A_46 : memref<1280xf32, #tpu.memory_space<hbm>>) dst(%arg10 : memref<1280xf32, #tpu.memory_space<vmem>>)
      tpu.yield
    }) : () -> ()
    "tpu.region"() ({
      %run_scoped3A = tpu.sem_alloc : memref<!tpu.dma_semaphore, #tpu.memory_space<semaphore_mem>>
      %dma_start3A = tpu.memref_slice %arg5[%mul3A_0] : memref<20480xf32, #tpu.memory_space<hbm>> -> memref<1280xf32, #tpu.memory_space<hbm>>
      %dma_start3A_45 = tpu.memref_slice %arg5[%mul3A_0] : memref<20480xf32, #tpu.memory_space<hbm>> -> memref<1280xf32, #tpu.memory_space<hbm>>
      tpu.enqueue_dma source(%dma_start3A_45 : memref<1280xf32, #tpu.memory_space<hbm>>) target(%arg11 : memref<1280xf32, #tpu.memory_space<vmem>>) target_semaphore(%run_scoped3A : memref<!tpu.dma_semaphore, #tpu.memory_space<semaphore_mem>>)
      %dma_wait3A = tpu.memref_slice %arg5[%mul3A_0] : memref<20480xf32, #tpu.memory_space<hbm>> -> memref<1280xf32, #tpu.memory_space<hbm>>
      %dma_wait3A_46 = tpu.memref_slice %arg5[%mul3A_0] : memref<20480xf32, #tpu.memory_space<hbm>> -> memref<1280xf32, #tpu.memory_space<hbm>>
      tpu.wait_dma2 semaphore(%run_scoped3A : memref<!tpu.dma_semaphore, #tpu.memory_space<semaphore_mem>>) src(%dma_wait3A_46 : memref<1280xf32, #tpu.memory_space<hbm>>) dst(%arg11 : memref<1280xf32, #tpu.memory_space<vmem>>)
      tpu.yield
    }) : () -> ()
    "tpu.region"() ({
      %run_scoped3A = tpu.sem_alloc : memref<!tpu.dma_semaphore, #tpu.memory_space<semaphore_mem>>
      %dma_start3A = tpu.memref_slice %arg6[%mul3A_0] : memref<20480xf32, #tpu.memory_space<hbm>> -> memref<1280xf32, #tpu.memory_space<hbm>>
      %dma_start3A_45 = tpu.memref_slice %arg6[%mul3A_0] : memref<20480xf32, #tpu.memory_space<hbm>> -> memref<1280xf32, #tpu.memory_space<hbm>>
      tpu.enqueue_dma source(%dma_start3A_45 : memref<1280xf32, #tpu.memory_space<hbm>>) target(%arg12 : memref<1280xf32, #tpu.memory_space<vmem>>) target_semaphore(%run_scoped3A : memref<!tpu.dma_semaphore, #tpu.memory_space<semaphore_mem>>)
      %dma_wait3A = tpu.memref_slice %arg6[%mul3A_0] : memref<20480xf32, #tpu.memory_space<hbm>> -> memref<1280xf32, #tpu.memory_space<hbm>>
      %dma_wait3A_46 = tpu.memref_slice %arg6[%mul3A_0] : memref<20480xf32, #tpu.memory_space<hbm>> -> memref<1280xf32, #tpu.memory_space<hbm>>
      tpu.wait_dma2 semaphore(%run_scoped3A : memref<!tpu.dma_semaphore, #tpu.memory_space<semaphore_mem>>) src(%dma_wait3A_46 : memref<1280xf32, #tpu.memory_space<hbm>>) dst(%arg12 : memref<1280xf32, #tpu.memory_space<vmem>>)
      tpu.yield
    }) : () -> ()
    %broadcast_in_dim3A = arith.constant 0xFF800000 : f32
    %broadcast_in_dim3A_1 = vector.broadcast %broadcast_in_dim3A : f32 to vector<16xf32>
    %scan3A = arith.constant 0 : i32
    %scan3A_2 = arith.constant 80 : i32
    %scan3A_3 = arith.addi %scan3A, %scan3A_2 : i32
    %scan3A_4 = arith.constant 1 : i32
    %scan3A_5 = scf.for %scan3A_45 = %scan3A to %scan3A_3 step %scan3A_4 iter_args(%scan3A_46 = %broadcast_in_dim3A_1) -> (vector<16xf32>)  : i32 {
      %mul3A_47 = arith.constant 16 : i32
      %mul3A_48 = arith.muli %scan3A_45, %mul3A_47 : i32
      %get3A = arith.index_cast %mul3A_48 : i32 to index
      %get3A_49 = tpu.vector_load %arg12[%get3A] {strides = array<i32>} : memref<1280xf32, #tpu.memory_space<vmem>>, vector<16xf32>,
      %max3A = arith.maximumf %scan3A_46, %get3A_49 : vector<16xf32>
      scf.yield %max3A : vector<16xf32>
    }
    %scan3A_6 = arith.constant 80 : i32
    %reduce_max3A = arith.constant true
    %reduce_max3A_7 = vector.broadcast %reduce_max3A : i1 to vector<16xi1>
    %reduce_max3A_8 = tpu.scan <max>, %scan3A_5 masked %reduce_max3A_7 : vector<16xf32>, vector<16xi1> -> vector<16xf32>
    %reduce_max3A_9 = vector.extract %reduce_max3A_8[15] : f32 from vector<16xf32>
    %broadcast_in_dim3A_10 = vector.broadcast %reduce_max3A_9 : f32 to vector<16xf32>
    %swap3A = arith.constant 0 : index
    %swap3A_11 = tpu.vector_load %arg13[%swap3A] {strides = array<i32>} : memref<16xf32, #tpu.memory_space<vmem>>, vector<16xf32>,
    tpu.vector_store %arg13[%swap3A], %broadcast_in_dim3A_10 {strides = array<i32>} : memref<16xf32, #tpu.memory_space<vmem>>, vector<16xf32>,
    %mul3A_12 = arith.constant 16 : i32
    %mul3A_13 = arith.muli %arg1, %mul3A_12 : i32
    "tpu.region"() ({
      %run_scoped3A = tpu.sem_alloc : memref<!tpu.dma_semaphore, #tpu.memory_space<semaphore_mem>>
      %dma_start3A = tpu.memref_slice %arg16[%mul3A_13] : memref<256xf32, #tpu.memory_space<vmem_shared>> -> memref<16xf32, #tpu.memory_space<vmem_shared>>
      %dma_start3A_45 = tpu.memref_slice %arg16[%mul3A_13] : memref<256xf32, #tpu.memory_space<vmem_shared>> -> memref<16xf32, #tpu.memory_space<vmem_shared>>
      tpu.enqueue_dma source(%arg13 : memref<16xf32, #tpu.memory_space<vmem>>) target(%dma_start3A_45 : memref<16xf32, #tpu.memory_space<vmem_shared>>) target_semaphore(%run_scoped3A : memref<!tpu.dma_semaphore, #tpu.memory_space<semaphore_mem>>)
      %dma_wait3A = tpu.memref_slice %arg16[%mul3A_13] : memref<256xf32, #tpu.memory_space<vmem_shared>> -> memref<16xf32, #tpu.memory_space<vmem_shared>>
      %dma_wait3A_46 = tpu.memref_slice %arg16[%mul3A_13] : memref<256xf32, #tpu.memory_space<vmem_shared>> -> memref<16xf32, #tpu.memory_space<vmem_shared>>
      tpu.wait_dma2 semaphore(%run_scoped3A : memref<!tpu.dma_semaphore, #tpu.memory_space<semaphore_mem>>) src(%arg13 : memref<16xf32, #tpu.memory_space<vmem>>) dst(%dma_wait3A_46 : memref<16xf32, #tpu.memory_space<vmem_shared>>)
      tpu.yield
    }) : () -> ()
    %barrier3A = arith.constant 0 : index
    tpu.barrier barrier_id(%barrier3A)
    "tpu.region"() ({
      %run_scoped3A = tpu.sem_alloc : memref<!tpu.dma_semaphore, #tpu.memory_space<semaphore_mem>>
      tpu.enqueue_dma source(%arg16 : memref<256xf32, #tpu.memory_space<vmem_shared>>) target(%arg14 : memref<256xf32, #tpu.memory_space<vmem>>) target_semaphore(%run_scoped3A : memref<!tpu.dma_semaphore, #tpu.memory_space<semaphore_mem>>)
      tpu.wait_dma2 semaphore(%run_scoped3A : memref<!tpu.dma_semaphore, #tpu.memory_space<semaphore_mem>>) src(%arg16 : memref<256xf32, #tpu.memory_space<vmem_shared>>) dst(%arg14 : memref<256xf32, #tpu.memory_space<vmem>>)
      tpu.yield
    }) : () -> ()
    %barrier3A_14 = arith.constant 0 : index
    tpu.barrier barrier_id(%barrier3A_14)
    %mul3A_15 = arith.constant 16 : i32
    %mul3A_16 = vector.broadcast %mul3A_15 : i32 to vector<16xi32>
    %mul3A_17 = arith.muli %iota3A, %mul3A_16 : vector<16xi32>
    %gather3A = tpu.vector_load_idx %arg14[%mul3A_17] : memref<256xf32, #tpu.memory_space<vmem>>[vector<16xi32>], vector<16xf32>,
    %reduce_max3A_18 = arith.constant true
    %reduce_max3A_19 = vector.broadcast %reduce_max3A_18 : i1 to vector<16xi1>
    %reduce_max3A_20 = tpu.scan <max>, %gather3A masked %reduce_max3A_19 : vector<16xf32>, vector<16xi1> -> vector<16xf32>
    %reduce_max3A_21 = vector.extract %reduce_max3A_20[15] : f32 from vector<16xf32>
    %gt3A = arith.constant 2.000000e-01 : f32
    %gt3A_22 = arith.cmpf ogt, %reduce_max3A_21, %gt3A : f32
    %scan3A_23 = arith.constant 0 : i32
    %scan3A_24 = arith.constant 0 : i32
    %scan3A_25 = arith.constant 80 : i32
    %scan3A_26 = arith.addi %scan3A_24, %scan3A_25 : i32
    %scan3A_27 = arith.constant 1 : i32
    %scan3A_28 = scf.for %scan3A_45 = %scan3A_24 to %scan3A_26 step %scan3A_27 iter_args(%scan3A_46 = %scan3A_23) -> (i32)  : i32 {
      %mul3A_47 = arith.constant 16 : i32
      %mul3A_48 = arith.muli %scan3A_45, %mul3A_47 : i32
      %get3A = arith.index_cast %mul3A_48 : i32 to index
      %get3A_49 = tpu.vector_load %arg12[%get3A] {strides = array<i32>} : memref<1280xf32, #tpu.memory_space<vmem>>, vector<16xf32>,
      %get3A_50 = arith.index_cast %mul3A_48 : i32 to index
      %get3A_51 = tpu.vector_load %arg10[%get3A_50] {strides = array<i32>} : memref<1280xf32, #tpu.memory_space<vmem>>, vector<16xf32>,
      %get3A_52 = arith.index_cast %mul3A_48 : i32 to index
      %get3A_53 = tpu.vector_load %arg8[%get3A_52] {strides = array<i32>} : memref<1280xf32, #tpu.memory_space<vmem>>, vector<16xf32>,
      %sub3A = arith.subf %get3A_51, %get3A_53 : vector<16xf32>
      %get3A_54 = arith.index_cast %mul3A_48 : i32 to index
      %get3A_55 = tpu.vector_load %arg11[%get3A_54] {strides = array<i32>} : memref<1280xf32, #tpu.memory_space<vmem>>, vector<16xf32>,
      %get3A_56 = arith.index_cast %mul3A_48 : i32 to index
      %get3A_57 = tpu.vector_load %arg9[%get3A_56] {strides = array<i32>} : memref<1280xf32, #tpu.memory_space<vmem>>, vector<16xf32>,
      %sub3A_58 = arith.subf %get3A_55, %get3A_57 : vector<16xf32>
      %gt3A_59 = arith.constant 2.000000e-01 : f32
      %gt3A_60 = vector.broadcast %gt3A_59 : f32 to vector<16xf32>
      %gt3A_61 = arith.cmpf ogt, %get3A_49, %gt3A_60 : vector<16xf32>
      %not3A = arith.constant true
      %not3A_62 = arith.xori %gt3A_22, %not3A : i1
      %or3A = vector.broadcast %not3A_62 : i1 to vector<16xi1>
      %or3A_63 = arith.ori %gt3A_61, %or3A : vector<16xi1>
      %ge3A = arith.constant 1.000000e+00 : f32
      %ge3A_64 = vector.broadcast %ge3A : f32 to vector<16xf32>
      %ge3A_65 = arith.cmpf oge, %sub3A, %ge3A_64 : vector<16xf32>
      %and3A = arith.andi %or3A_63, %ge3A_65 : vector<16xi1>
      %ge3A_66 = arith.constant 1.000000e+00 : f32
      %ge3A_67 = vector.broadcast %ge3A_66 : f32 to vector<16xf32>
      %ge3A_68 = arith.cmpf oge, %sub3A_58, %ge3A_67 : vector<16xf32>
      %and3A_69 = arith.andi %and3A, %ge3A_68 : vector<16xi1>
      %jit3A = arith.constant 0xFF800000 : f32
      %broadcast_in_dim3A_70 = vector.broadcast %jit3A : f32 to vector<16xf32>
      %select_n3A = arith.select %and3A_69, %get3A_49, %broadcast_in_dim3A_70 : vector<16xi1>, vector<16xf32>
      %swap3A_71 = arith.index_cast %mul3A_48 : i32 to index
      %swap3A_72 = tpu.vector_load %arg12[%swap3A_71] {strides = array<i32>} : memref<1280xf32, #tpu.memory_space<vmem>>, vector<16xf32>,
      tpu.vector_store %arg12[%swap3A_71], %select_n3A {strides = array<i32>} : memref<1280xf32, #tpu.memory_space<vmem>>, vector<16xf32>,
      %scan3A_73 = arith.constant 0 : i32
      scf.yield %scan3A_73 : i32
    }
    %scan3A_29 = arith.constant 80 : i32
    %eq3A = arith.constant 0 : i32
    %eq3A_30 = arith.cmpi eq, %arg1, %eq3A : i32
    %convert_element_type3A = arith.extui %eq3A_30 : i1 to i32
    %cond3A = arith.constant 0 : i32
    %cond3A_31 = arith.cmpi ne, %convert_element_type3A, %cond3A : i32
    scf.if %cond3A_31 {
      %scan3A_45 = arith.constant 0 : i32
      %scan3A_46 = arith.constant 0 : i32
      %scan3A_47 = arith.constant 64 : i32
      %scan3A_48 = arith.addi %scan3A_46, %scan3A_47 : i32
      %scan3A_49 = arith.constant 1 : i32
      %scan3A_50 = scf.for %scan3A_52 = %scan3A_46 to %scan3A_48 step %scan3A_49 iter_args(%scan3A_53 = %scan3A_45) -> (i32)  : i32 {
        %broadcast_in_dim3A_54 = arith.constant 0.000000e+00 : f32
        %broadcast_in_dim3A_55 = vector.broadcast %broadcast_in_dim3A_54 : f32 to vector<16xf32>
        %mul3A_56 = arith.constant 16 : i32
        %mul3A_57 = arith.muli %scan3A_52, %mul3A_56 : i32
        %swap3A_58 = arith.index_cast %mul3A_57 : i32 to index
        %swap3A_59 = tpu.vector_load %arg15[%swap3A_58] {strides = array<i32>} : memref<1024xf32, #tpu.memory_space<vmem>>, vector<16xf32>,
        tpu.vector_store %arg15[%swap3A_58], %broadcast_in_dim3A_55 {strides = array<i32>} : memref<1024xf32, #tpu.memory_space<vmem>>, vector<16xf32>,
        %scan3A_60 = arith.constant 0 : i32
        scf.yield %scan3A_60 : i32
      }
      %scan3A_51 = arith.constant 64 : i32
    } else {
    }
    %broadcast_in_dim3A_32 = arith.constant 0.000000e+00 : f32
    %broadcast_in_dim3A_33 = vector.broadcast %broadcast_in_dim3A_32 : f32 to vector<16xf32>
    %scan3A_34 = arith.constant 0 : i32
    %scan3A_35 = arith.constant 100 : i32
    %scan3A_36 = arith.addi %scan3A_34, %scan3A_35 : i32
    %scan3A_37 = arith.constant 1 : i32
    %scan3A_38:4 = scf.for %scan3A_45 = %scan3A_34 to %scan3A_36 step %scan3A_37 iter_args(%scan3A_46 = %broadcast_in_dim3A_33, %scan3A_47 = %broadcast_in_dim3A_33, %scan3A_48 = %broadcast_in_dim3A_33, %scan3A_49 = %broadcast_in_dim3A_33) -> (vector<16xf32>, vector<16xf32>, vector<16xf32>, vector<16xf32>)  : i32 {
      %sub3A = arith.subf %scan3A_48, %scan3A_46 : vector<16xf32>
      %sub3A_50 = arith.subf %scan3A_49, %scan3A_47 : vector<16xf32>
      %mul3A_51 = arith.mulf %sub3A, %sub3A_50 : vector<16xf32>
      %broadcast_in_dim3A_52 = arith.constant 0xFF800000 : f32
      %broadcast_in_dim3A_53 = vector.broadcast %broadcast_in_dim3A_52 : f32 to vector<16xf32>
      %broadcast_in_dim3A_54 = arith.constant 0 : i32
      %broadcast_in_dim3A_55 = vector.broadcast %broadcast_in_dim3A_54 : i32 to vector<16xi32>
      %scan3A_56 = arith.constant 0 : i32
      %scan3A_57 = arith.constant 20 : i32
      %scan3A_58 = arith.addi %scan3A_56, %scan3A_57 : i32
      %scan3A_59 = arith.constant 1 : i32
      %scan3A_60:8 = scf.for %scan3A_263 = %scan3A_56 to %scan3A_58 step %scan3A_59 iter_args(%scan3A_264 = %broadcast_in_dim3A_53, %scan3A_265 = %broadcast_in_dim3A_55, %scan3A_266 = %broadcast_in_dim3A_53, %scan3A_267 = %broadcast_in_dim3A_55, %scan3A_268 = %broadcast_in_dim3A_53, %scan3A_269 = %broadcast_in_dim3A_55, %scan3A_270 = %broadcast_in_dim3A_53, %scan3A_271 = %broadcast_in_dim3A_55) -> (vector<16xf32>, vector<16xi32>, vector<16xf32>, vector<16xi32>, vector<16xf32>, vector<16xi32>, vector<16xf32>, vector<16xi32>)  : i32 {
        %mul3A_272 = arith.constant 4 : i32
        %mul3A_273 = arith.muli %scan3A_263, %mul3A_272 : i32
        %add3A_274 = arith.constant 0 : i32
        %add3A_275 = arith.addi %mul3A_273, %add3A_274 : i32
        %mul3A_276 = arith.constant 16 : i32
        %mul3A_277 = arith.muli %add3A_275, %mul3A_276 : i32
        %get3A = arith.index_cast %mul3A_277 : i32 to index
        %get3A_278 = tpu.vector_load %arg8[%get3A] {strides = array<i32>} : memref<1280xf32, #tpu.memory_space<vmem>>, vector<16xf32>,
        %get3A_279 = arith.index_cast %mul3A_277 : i32 to index
        %get3A_280 = tpu.vector_load %arg9[%get3A_279] {strides = array<i32>} : memref<1280xf32, #tpu.memory_space<vmem>>, vector<16xf32>,
        %get3A_281 = arith.index_cast %mul3A_277 : i32 to index
        %get3A_282 = tpu.vector_load %arg10[%get3A_281] {strides = array<i32>} : memref<1280xf32, #tpu.memory_space<vmem>>, vector<16xf32>,
        %get3A_283 = arith.index_cast %mul3A_277 : i32 to index
        %get3A_284 = tpu.vector_load %arg11[%get3A_283] {strides = array<i32>} : memref<1280xf32, #tpu.memory_space<vmem>>, vector<16xf32>,
        %sub3A_285 = arith.subf %get3A_282, %get3A_278 : vector<16xf32>
        %sub3A_286 = arith.subf %get3A_284, %get3A_280 : vector<16xf32>
        %mul3A_287 = arith.mulf %sub3A_285, %sub3A_286 : vector<16xf32>
        %max3A_288 = arith.maximumf %scan3A_46, %get3A_278 : vector<16xf32>
        %max3A_289 = arith.maximumf %scan3A_47, %get3A_280 : vector<16xf32>
        %min3A_290 = arith.minimumf %scan3A_48, %get3A_282 : vector<16xf32>
        %min3A_291 = arith.minimumf %scan3A_49, %get3A_284 : vector<16xf32>
        %sub3A_292 = arith.subf %min3A_290, %max3A_288 : vector<16xf32>
        %jit3A_293 = arith.constant 0.000000e+00 : f32
        %max3A_294 = vector.broadcast %jit3A_293 : f32 to vector<16xf32>
        %max3A_295 = arith.maximumf %max3A_294, %sub3A_292 : vector<16xf32>
        %sub3A_296 = arith.subf %min3A_291, %max3A_289 : vector<16xf32>
        %jit3A_297 = arith.constant 0.000000e+00 : f32
        %max3A_298 = vector.broadcast %jit3A_297 : f32 to vector<16xf32>
        %max3A_299 = arith.maximumf %max3A_298, %sub3A_296 : vector<16xf32>
        %mul3A_300 = arith.mulf %max3A_295, %max3A_299 : vector<16xf32>
        %add3A_301 = arith.addf %mul3A_51, %mul3A_287 : vector<16xf32>
        %sub3A_302 = arith.subf %add3A_301, %mul3A_300 : vector<16xf32>
        %add3A_303 = arith.constant 9.99999971E-10 : f32
        %add3A_304 = vector.broadcast %add3A_303 : f32 to vector<16xf32>
        %add3A_305 = arith.addf %sub3A_302, %add3A_304 : vector<16xf32>
        %div3A_306 = arith.divf %mul3A_300, %add3A_305 : vector<16xf32>
        %gt3A_307 = arith.constant 4.000000e-01 : f32
        %gt3A_308 = vector.broadcast %gt3A_307 : f32 to vector<16xf32>
        %gt3A_309 = arith.cmpf ogt, %div3A_306, %gt3A_308 : vector<16xf32>
        %get3A_310 = arith.index_cast %mul3A_277 : i32 to index
        %get3A_311 = tpu.vector_load %arg12[%get3A_310] {strides = array<i32>} : memref<1280xf32, #tpu.memory_space<vmem>>, vector<16xf32>,
        %jit3A_312 = arith.constant 0xFF800000 : f32
        %broadcast_in_dim3A_313 = vector.broadcast %jit3A_312 : f32 to vector<16xf32>
        %select_n3A_314 = arith.select %gt3A_309, %broadcast_in_dim3A_313, %get3A_311 : vector<16xi1>, vector<16xf32>
        %swap3A_315 = arith.index_cast %mul3A_277 : i32 to index
        %swap3A_316 = tpu.vector_load %arg12[%swap3A_315] {strides = array<i32>} : memref<1280xf32, #tpu.memory_space<vmem>>, vector<16xf32>,
        tpu.vector_store %arg12[%swap3A_315], %select_n3A_314 {strides = array<i32>} : memref<1280xf32, #tpu.memory_space<vmem>>, vector<16xf32>,
        %gt3A_317 = arith.cmpf ogt, %select_n3A_314, %scan3A_264 : vector<16xf32>
        %select_n3A_318 = arith.select %gt3A_317, %select_n3A_314, %scan3A_264 : vector<16xi1>, vector<16xf32>
        %broadcast_in_dim3A_319 = vector.broadcast %add3A_275 : i32 to vector<16xi32>
        %select_n3A_320 = arith.select %gt3A_317, %broadcast_in_dim3A_319, %scan3A_265 : vector<16xi1>, vector<16xi32>
        %mul3A_321 = arith.constant 4 : i32
        %mul3A_322 = arith.muli %scan3A_263, %mul3A_321 : i32
        %add3A_323 = arith.constant 1 : i32
        %add3A_324 = arith.addi %mul3A_322, %add3A_323 : i32
        %mul3A_325 = arith.constant 16 : i32
        %mul3A_326 = arith.muli %add3A_324, %mul3A_325 : i32
        %get3A_327 = arith.index_cast %mul3A_326 : i32 to index
        %get3A_328 = tpu.vector_load %arg8[%get3A_327] {strides = array<i32>} : memref<1280xf32, #tpu.memory_space<vmem>>, vector<16xf32>,
        %get3A_329 = arith.index_cast %mul3A_326 : i32 to index
        %get3A_330 = tpu.vector_load %arg9[%get3A_329] {strides = array<i32>} : memref<1280xf32, #tpu.memory_space<vmem>>, vector<16xf32>,
        %get3A_331 = arith.index_cast %mul3A_326 : i32 to index
        %get3A_332 = tpu.vector_load %arg10[%get3A_331] {strides = array<i32>} : memref<1280xf32, #tpu.memory_space<vmem>>, vector<16xf32>,
        %get3A_333 = arith.index_cast %mul3A_326 : i32 to index
        %get3A_334 = tpu.vector_load %arg11[%get3A_333] {strides = array<i32>} : memref<1280xf32, #tpu.memory_space<vmem>>, vector<16xf32>,
        %sub3A_335 = arith.subf %get3A_332, %get3A_328 : vector<16xf32>
        %sub3A_336 = arith.subf %get3A_334, %get3A_330 : vector<16xf32>
        %mul3A_337 = arith.mulf %sub3A_335, %sub3A_336 : vector<16xf32>
        %max3A_338 = arith.maximumf %scan3A_46, %get3A_328 : vector<16xf32>
        %max3A_339 = arith.maximumf %scan3A_47, %get3A_330 : vector<16xf32>
        %min3A_340 = arith.minimumf %scan3A_48, %get3A_332 : vector<16xf32>
        %min3A_341 = arith.minimumf %scan3A_49, %get3A_334 : vector<16xf32>
        %sub3A_342 = arith.subf %min3A_340, %max3A_338 : vector<16xf32>
        %jit3A_343 = arith.constant 0.000000e+00 : f32
        %max3A_344 = vector.broadcast %jit3A_343 : f32 to vector<16xf32>
        %max3A_345 = arith.maximumf %max3A_344, %sub3A_342 : vector<16xf32>
        %sub3A_346 = arith.subf %min3A_341, %max3A_339 : vector<16xf32>
        %jit3A_347 = arith.constant 0.000000e+00 : f32
        %max3A_348 = vector.broadcast %jit3A_347 : f32 to vector<16xf32>
        %max3A_349 = arith.maximumf %max3A_348, %sub3A_346 : vector<16xf32>
        %mul3A_350 = arith.mulf %max3A_345, %max3A_349 : vector<16xf32>
        %add3A_351 = arith.addf %mul3A_51, %mul3A_337 : vector<16xf32>
        %sub3A_352 = arith.subf %add3A_351, %mul3A_350 : vector<16xf32>
        %add3A_353 = arith.constant 9.99999971E-10 : f32
        %add3A_354 = vector.broadcast %add3A_353 : f32 to vector<16xf32>
        %add3A_355 = arith.addf %sub3A_352, %add3A_354 : vector<16xf32>
        %div3A_356 = arith.divf %mul3A_350, %add3A_355 : vector<16xf32>
        %gt3A_357 = arith.constant 4.000000e-01 : f32
        %gt3A_358 = vector.broadcast %gt3A_357 : f32 to vector<16xf32>
        %gt3A_359 = arith.cmpf ogt, %div3A_356, %gt3A_358 : vector<16xf32>
        %get3A_360 = arith.index_cast %mul3A_326 : i32 to index
        %get3A_361 = tpu.vector_load %arg12[%get3A_360] {strides = array<i32>} : memref<1280xf32, #tpu.memory_space<vmem>>, vector<16xf32>,
        %jit3A_362 = arith.constant 0xFF800000 : f32
        %broadcast_in_dim3A_363 = vector.broadcast %jit3A_362 : f32 to vector<16xf32>
        %select_n3A_364 = arith.select %gt3A_359, %broadcast_in_dim3A_363, %get3A_361 : vector<16xi1>, vector<16xf32>
        %swap3A_365 = arith.index_cast %mul3A_326 : i32 to index
        %swap3A_366 = tpu.vector_load %arg12[%swap3A_365] {strides = array<i32>} : memref<1280xf32, #tpu.memory_space<vmem>>, vector<16xf32>,
        tpu.vector_store %arg12[%swap3A_365], %select_n3A_364 {strides = array<i32>} : memref<1280xf32, #tpu.memory_space<vmem>>, vector<16xf32>,
        %gt3A_367 = arith.cmpf ogt, %select_n3A_364, %scan3A_266 : vector<16xf32>
        %select_n3A_368 = arith.select %gt3A_367, %select_n3A_364, %scan3A_266 : vector<16xi1>, vector<16xf32>
        %broadcast_in_dim3A_369 = vector.broadcast %add3A_324 : i32 to vector<16xi32>
        %select_n3A_370 = arith.select %gt3A_367, %broadcast_in_dim3A_369, %scan3A_267 : vector<16xi1>, vector<16xi32>
        %mul3A_371 = arith.constant 4 : i32
        %mul3A_372 = arith.muli %scan3A_263, %mul3A_371 : i32
        %add3A_373 = arith.constant 2 : i32
        %add3A_374 = arith.addi %mul3A_372, %add3A_373 : i32
        %mul3A_375 = arith.constant 16 : i32
        %mul3A_376 = arith.muli %add3A_374, %mul3A_375 : i32
        %get3A_377 = arith.index_cast %mul3A_376 : i32 to index
        %get3A_378 = tpu.vector_load %arg8[%get3A_377] {strides = array<i32>} : memref<1280xf32, #tpu.memory_space<vmem>>, vector<16xf32>,
        %get3A_379 = arith.index_cast %mul3A_376 : i32 to index
        %get3A_380 = tpu.vector_load %arg9[%get3A_379] {strides = array<i32>} : memref<1280xf32, #tpu.memory_space<vmem>>, vector<16xf32>,
        %get3A_381 = arith.index_cast %mul3A_376 : i32 to index
        %get3A_382 = tpu.vector_load %arg10[%get3A_381] {strides = array<i32>} : memref<1280xf32, #tpu.memory_space<vmem>>, vector<16xf32>,
        %get3A_383 = arith.index_cast %mul3A_376 : i32 to index
        %get3A_384 = tpu.vector_load %arg11[%get3A_383] {strides = array<i32>} : memref<1280xf32, #tpu.memory_space<vmem>>, vector<16xf32>,
        %sub3A_385 = arith.subf %get3A_382, %get3A_378 : vector<16xf32>
        %sub3A_386 = arith.subf %get3A_384, %get3A_380 : vector<16xf32>
        %mul3A_387 = arith.mulf %sub3A_385, %sub3A_386 : vector<16xf32>
        %max3A_388 = arith.maximumf %scan3A_46, %get3A_378 : vector<16xf32>
        %max3A_389 = arith.maximumf %scan3A_47, %get3A_380 : vector<16xf32>
        %min3A_390 = arith.minimumf %scan3A_48, %get3A_382 : vector<16xf32>
        %min3A_391 = arith.minimumf %scan3A_49, %get3A_384 : vector<16xf32>
        %sub3A_392 = arith.subf %min3A_390, %max3A_388 : vector<16xf32>
        %jit3A_393 = arith.constant 0.000000e+00 : f32
        %max3A_394 = vector.broadcast %jit3A_393 : f32 to vector<16xf32>
        %max3A_395 = arith.maximumf %max3A_394, %sub3A_392 : vector<16xf32>
        %sub3A_396 = arith.subf %min3A_391, %max3A_389 : vector<16xf32>
        %jit3A_397 = arith.constant 0.000000e+00 : f32
        %max3A_398 = vector.broadcast %jit3A_397 : f32 to vector<16xf32>
        %max3A_399 = arith.maximumf %max3A_398, %sub3A_396 : vector<16xf32>
        %mul3A_400 = arith.mulf %max3A_395, %max3A_399 : vector<16xf32>
        %add3A_401 = arith.addf %mul3A_51, %mul3A_387 : vector<16xf32>
        %sub3A_402 = arith.subf %add3A_401, %mul3A_400 : vector<16xf32>
        %add3A_403 = arith.constant 9.99999971E-10 : f32
        %add3A_404 = vector.broadcast %add3A_403 : f32 to vector<16xf32>
        %add3A_405 = arith.addf %sub3A_402, %add3A_404 : vector<16xf32>
        %div3A_406 = arith.divf %mul3A_400, %add3A_405 : vector<16xf32>
        %gt3A_407 = arith.constant 4.000000e-01 : f32
        %gt3A_408 = vector.broadcast %gt3A_407 : f32 to vector<16xf32>
        %gt3A_409 = arith.cmpf ogt, %div3A_406, %gt3A_408 : vector<16xf32>
        %get3A_410 = arith.index_cast %mul3A_376 : i32 to index
        %get3A_411 = tpu.vector_load %arg12[%get3A_410] {strides = array<i32>} : memref<1280xf32, #tpu.memory_space<vmem>>, vector<16xf32>,
        %jit3A_412 = arith.constant 0xFF800000 : f32
        %broadcast_in_dim3A_413 = vector.broadcast %jit3A_412 : f32 to vector<16xf32>
        %select_n3A_414 = arith.select %gt3A_409, %broadcast_in_dim3A_413, %get3A_411 : vector<16xi1>, vector<16xf32>
        %swap3A_415 = arith.index_cast %mul3A_376 : i32 to index
        %swap3A_416 = tpu.vector_load %arg12[%swap3A_415] {strides = array<i32>} : memref<1280xf32, #tpu.memory_space<vmem>>, vector<16xf32>,
        tpu.vector_store %arg12[%swap3A_415], %select_n3A_414 {strides = array<i32>} : memref<1280xf32, #tpu.memory_space<vmem>>, vector<16xf32>,
        %gt3A_417 = arith.cmpf ogt, %select_n3A_414, %scan3A_268 : vector<16xf32>
        %select_n3A_418 = arith.select %gt3A_417, %select_n3A_414, %scan3A_268 : vector<16xi1>, vector<16xf32>
        %broadcast_in_dim3A_419 = vector.broadcast %add3A_374 : i32 to vector<16xi32>
        %select_n3A_420 = arith.select %gt3A_417, %broadcast_in_dim3A_419, %scan3A_269 : vector<16xi1>, vector<16xi32>
        %mul3A_421 = arith.constant 4 : i32
        %mul3A_422 = arith.muli %scan3A_263, %mul3A_421 : i32
        %add3A_423 = arith.constant 3 : i32
        %add3A_424 = arith.addi %mul3A_422, %add3A_423 : i32
        %mul3A_425 = arith.constant 16 : i32
        %mul3A_426 = arith.muli %add3A_424, %mul3A_425 : i32
        %get3A_427 = arith.index_cast %mul3A_426 : i32 to index
        %get3A_428 = tpu.vector_load %arg8[%get3A_427] {strides = array<i32>} : memref<1280xf32, #tpu.memory_space<vmem>>, vector<16xf32>,
        %get3A_429 = arith.index_cast %mul3A_426 : i32 to index
        %get3A_430 = tpu.vector_load %arg9[%get3A_429] {strides = array<i32>} : memref<1280xf32, #tpu.memory_space<vmem>>, vector<16xf32>,
        %get3A_431 = arith.index_cast %mul3A_426 : i32 to index
        %get3A_432 = tpu.vector_load %arg10[%get3A_431] {strides = array<i32>} : memref<1280xf32, #tpu.memory_space<vmem>>, vector<16xf32>,
        %get3A_433 = arith.index_cast %mul3A_426 : i32 to index
        %get3A_434 = tpu.vector_load %arg11[%get3A_433] {strides = array<i32>} : memref<1280xf32, #tpu.memory_space<vmem>>, vector<16xf32>,
        %sub3A_435 = arith.subf %get3A_432, %get3A_428 : vector<16xf32>
        %sub3A_436 = arith.subf %get3A_434, %get3A_430 : vector<16xf32>
        %mul3A_437 = arith.mulf %sub3A_435, %sub3A_436 : vector<16xf32>
        %max3A_438 = arith.maximumf %scan3A_46, %get3A_428 : vector<16xf32>
        %max3A_439 = arith.maximumf %scan3A_47, %get3A_430 : vector<16xf32>
        %min3A_440 = arith.minimumf %scan3A_48, %get3A_432 : vector<16xf32>
        %min3A_441 = arith.minimumf %scan3A_49, %get3A_434 : vector<16xf32>
        %sub3A_442 = arith.subf %min3A_440, %max3A_438 : vector<16xf32>
        %jit3A_443 = arith.constant 0.000000e+00 : f32
        %max3A_444 = vector.broadcast %jit3A_443 : f32 to vector<16xf32>
        %max3A_445 = arith.maximumf %max3A_444, %sub3A_442 : vector<16xf32>
        %sub3A_446 = arith.subf %min3A_441, %max3A_439 : vector<16xf32>
        %jit3A_447 = arith.constant 0.000000e+00 : f32
        %max3A_448 = vector.broadcast %jit3A_447 : f32 to vector<16xf32>
        %max3A_449 = arith.maximumf %max3A_448, %sub3A_446 : vector<16xf32>
        %mul3A_450 = arith.mulf %max3A_445, %max3A_449 : vector<16xf32>
        %add3A_451 = arith.addf %mul3A_51, %mul3A_437 : vector<16xf32>
        %sub3A_452 = arith.subf %add3A_451, %mul3A_450 : vector<16xf32>
        %add3A_453 = arith.constant 9.99999971E-10 : f32
        %add3A_454 = vector.broadcast %add3A_453 : f32 to vector<16xf32>
        %add3A_455 = arith.addf %sub3A_452, %add3A_454 : vector<16xf32>
        %div3A_456 = arith.divf %mul3A_450, %add3A_455 : vector<16xf32>
        %gt3A_457 = arith.constant 4.000000e-01 : f32
        %gt3A_458 = vector.broadcast %gt3A_457 : f32 to vector<16xf32>
        %gt3A_459 = arith.cmpf ogt, %div3A_456, %gt3A_458 : vector<16xf32>
        %get3A_460 = arith.index_cast %mul3A_426 : i32 to index
        %get3A_461 = tpu.vector_load %arg12[%get3A_460] {strides = array<i32>} : memref<1280xf32, #tpu.memory_space<vmem>>, vector<16xf32>,
        %jit3A_462 = arith.constant 0xFF800000 : f32
        %broadcast_in_dim3A_463 = vector.broadcast %jit3A_462 : f32 to vector<16xf32>
        %select_n3A_464 = arith.select %gt3A_459, %broadcast_in_dim3A_463, %get3A_461 : vector<16xi1>, vector<16xf32>
        %swap3A_465 = arith.index_cast %mul3A_426 : i32 to index
        %swap3A_466 = tpu.vector_load %arg12[%swap3A_465] {strides = array<i32>} : memref<1280xf32, #tpu.memory_space<vmem>>, vector<16xf32>,
        tpu.vector_store %arg12[%swap3A_465], %select_n3A_464 {strides = array<i32>} : memref<1280xf32, #tpu.memory_space<vmem>>, vector<16xf32>,
        %gt3A_467 = arith.cmpf ogt, %select_n3A_464, %scan3A_270 : vector<16xf32>
        %select_n3A_468 = arith.select %gt3A_467, %select_n3A_464, %scan3A_270 : vector<16xi1>, vector<16xf32>
        %broadcast_in_dim3A_469 = vector.broadcast %add3A_424 : i32 to vector<16xi32>
        %select_n3A_470 = arith.select %gt3A_467, %broadcast_in_dim3A_469, %scan3A_271 : vector<16xi1>, vector<16xi32>
        scf.yield %select_n3A_318, %select_n3A_320, %select_n3A_368, %select_n3A_370, %select_n3A_418, %select_n3A_420, %select_n3A_468, %select_n3A_470 : vector<16xf32>, vector<16xi32>, vector<16xf32>, vector<16xi32>, vector<16xf32>, vector<16xi32>, vector<16xf32>, vector<16xi32>
      }
      %scan3A_61 = arith.constant 20 : i32
      %mul3A_62 = arith.constant 16 : i32
      %mul3A_63 = vector.broadcast %mul3A_62 : i32 to vector<16xi32>
      %mul3A_64 = arith.muli %scan3A_60#1, %mul3A_63 : vector<16xi32>
      %add3A = arith.addi %mul3A_64, %iota3A : vector<16xi32>
      %mul3A_65 = arith.constant 16 : i32
      %mul3A_66 = vector.broadcast %mul3A_65 : i32 to vector<16xi32>
      %mul3A_67 = arith.muli %scan3A_60#3, %mul3A_66 : vector<16xi32>
      %add3A_68 = arith.addi %mul3A_67, %iota3A : vector<16xi32>
      %gt3A_69 = arith.cmpf ogt, %scan3A_60#2, %scan3A_60#0 : vector<16xf32>
      %eq3A_70 = arith.cmpf oeq, %scan3A_60#2, %scan3A_60#0 : vector<16xf32>
      %lt3A = arith.cmpi slt, %add3A_68, %add3A : vector<16xi32>
      %and3A = arith.andi %eq3A_70, %lt3A : vector<16xi1>
      %or3A = arith.ori %gt3A_69, %and3A : vector<16xi1>
      %select_n3A = arith.select %or3A, %scan3A_60#2, %scan3A_60#0 : vector<16xi1>, vector<16xf32>
      %select_n3A_71 = arith.select %or3A, %add3A_68, %add3A : vector<16xi1>, vector<16xi32>
      %mul3A_72 = arith.constant 16 : i32
      %mul3A_73 = vector.broadcast %mul3A_72 : i32 to vector<16xi32>
      %mul3A_74 = arith.muli %scan3A_60#5, %mul3A_73 : vector<16xi32>
      %add3A_75 = arith.addi %mul3A_74, %iota3A : vector<16xi32>
      %gt3A_76 = arith.cmpf ogt, %scan3A_60#4, %select_n3A : vector<16xf32>
      %eq3A_77 = arith.cmpf oeq, %scan3A_60#4, %select_n3A : vector<16xf32>
      %lt3A_78 = arith.cmpi slt, %add3A_75, %select_n3A_71 : vector<16xi32>
      %and3A_79 = arith.andi %eq3A_77, %lt3A_78 : vector<16xi1>
      %or3A_80 = arith.ori %gt3A_76, %and3A_79 : vector<16xi1>
      %select_n3A_81 = arith.select %or3A_80, %scan3A_60#4, %select_n3A : vector<16xi1>, vector<16xf32>
      %select_n3A_82 = arith.select %or3A_80, %add3A_75, %select_n3A_71 : vector<16xi1>, vector<16xi32>
      %mul3A_83 = arith.constant 16 : i32
      %mul3A_84 = vector.broadcast %mul3A_83 : i32 to vector<16xi32>
      %mul3A_85 = arith.muli %scan3A_60#7, %mul3A_84 : vector<16xi32>
      %add3A_86 = arith.addi %mul3A_85, %iota3A : vector<16xi32>
      %gt3A_87 = arith.cmpf ogt, %scan3A_60#6, %select_n3A_81 : vector<16xf32>
      %eq3A_88 = arith.cmpf oeq, %scan3A_60#6, %select_n3A_81 : vector<16xf32>
      %lt3A_89 = arith.cmpi slt, %add3A_86, %select_n3A_82 : vector<16xi32>
      %and3A_90 = arith.andi %eq3A_88, %lt3A_89 : vector<16xi1>
      %or3A_91 = arith.ori %gt3A_87, %and3A_90 : vector<16xi1>
      %select_n3A_92 = arith.select %or3A_91, %scan3A_60#6, %select_n3A_81 : vector<16xi1>, vector<16xf32>
      %select_n3A_93 = arith.select %or3A_91, %add3A_86, %select_n3A_82 : vector<16xi1>, vector<16xi32>
      %reduce_max3A_94 = arith.constant true
      %reduce_max3A_95 = vector.broadcast %reduce_max3A_94 : i1 to vector<16xi1>
      %reduce_max3A_96 = tpu.scan <max>, %select_n3A_92 masked %reduce_max3A_95 : vector<16xf32>, vector<16xi1> -> vector<16xf32>
      %reduce_max3A_97 = vector.extract %reduce_max3A_96[15] : f32 from vector<16xf32>
      %eq3A_98 = vector.broadcast %reduce_max3A_97 : f32 to vector<16xf32>
      %eq3A_99 = arith.cmpf oeq, %select_n3A_92, %eq3A_98 : vector<16xf32>
      %add3A_100 = vector.broadcast %mul3A_0 : i32 to vector<16xi32>
      %add3A_101 = arith.addi %add3A_100, %select_n3A_93 : vector<16xi32>
      %jit3A = arith.constant 1073741824 : i32
      %broadcast_in_dim3A_102 = vector.broadcast %jit3A : i32 to vector<16xi32>
      %select_n3A_103 = arith.select %eq3A_99, %add3A_101, %broadcast_in_dim3A_102 : vector<16xi1>, vector<16xi32>
      %reduce_min3A = arith.constant true
      %reduce_min3A_104 = vector.broadcast %reduce_min3A : i1 to vector<16xi1>
      %reduce_min3A_105 = arith.constant -2147483648 : i32
      %reduce_min3A_106 = vector.broadcast %reduce_min3A_105 : i32 to vector<16xi32>
      %reduce_min3A_107 = arith.xori %select_n3A_103, %reduce_min3A_106 : vector<16xi32>
      %reduce_min3A_108 = tpu.scan <min>, %reduce_min3A_107 masked %reduce_min3A_104 : vector<16xi32>, vector<16xi1> -> vector<16xi32>
      %reduce_min3A_109 = arith.xori %reduce_min3A_108, %reduce_min3A_106 : vector<16xi32>
      %reduce_min3A_110 = vector.extract %reduce_min3A_109[15] : i32 from vector<16xi32>
      %sub3A_111 = arith.subi %reduce_min3A_110, %mul3A_0 : i32
      %jit3A_112 = arith.constant 0 : i32
      %jit3A_113 = arith.constant 1279 : i32
      %max3A = arith.maxsi %jit3A_112, %sub3A_111 : i32
      %min3A = arith.minsi %jit3A_113, %max3A : i32
      %broadcast_in_dim3A_114 = vector.broadcast %min3A : i32 to vector<16xi32>
      %gather3A_115 = tpu.vector_load_idx %arg8[%broadcast_in_dim3A_114] : memref<1280xf32, #tpu.memory_space<vmem>>[vector<16xi32>], vector<16xf32>,
      %gather3A_116 = tpu.vector_load_idx %arg9[%broadcast_in_dim3A_114] : memref<1280xf32, #tpu.memory_space<vmem>>[vector<16xi32>], vector<16xf32>,
      %gather3A_117 = tpu.vector_load_idx %arg10[%broadcast_in_dim3A_114] : memref<1280xf32, #tpu.memory_space<vmem>>[vector<16xi32>], vector<16xf32>,
      %gather3A_118 = tpu.vector_load_idx %arg11[%broadcast_in_dim3A_114] : memref<1280xf32, #tpu.memory_space<vmem>>[vector<16xi32>], vector<16xf32>,
      %eq3A_119 = arith.constant 0 : i32
      %eq3A_120 = vector.broadcast %eq3A_119 : i32 to vector<16xi32>
      %eq3A_121 = arith.cmpi eq, %iota3A, %eq3A_120 : vector<16xi32>
      %broadcast_in_dim3A_122 = vector.broadcast %reduce_max3A_97 : f32 to vector<16xf32>
      %eq3A_123 = arith.constant 1 : i32
      %eq3A_124 = vector.broadcast %eq3A_123 : i32 to vector<16xi32>
      %eq3A_125 = arith.cmpi eq, %iota3A, %eq3A_124 : vector<16xi32>
      %convert_element_type3A_126 = arith.sitofp %reduce_min3A_110 : i32 to f32
      %broadcast_in_dim3A_127 = vector.broadcast %convert_element_type3A_126 : f32 to vector<16xf32>
      %eq3A_128 = arith.constant 2 : i32
      %eq3A_129 = vector.broadcast %eq3A_128 : i32 to vector<16xi32>
      %eq3A_130 = arith.cmpi eq, %iota3A, %eq3A_129 : vector<16xi32>
      %eq3A_131 = arith.constant 3 : i32
      %eq3A_132 = vector.broadcast %eq3A_131 : i32 to vector<16xi32>
      %eq3A_133 = arith.cmpi eq, %iota3A, %eq3A_132 : vector<16xi32>
      %eq3A_134 = arith.constant 4 : i32
      %eq3A_135 = vector.broadcast %eq3A_134 : i32 to vector<16xi32>
      %eq3A_136 = arith.cmpi eq, %iota3A, %eq3A_135 : vector<16xi32>
      %select_n3A_137 = arith.select %eq3A_136, %gather3A_117, %gather3A_118 : vector<16xi1>, vector<16xf32>
      %select_n3A_138 = arith.select %eq3A_133, %gather3A_116, %select_n3A_137 : vector<16xi1>, vector<16xf32>
      %select_n3A_139 = arith.select %eq3A_130, %gather3A_115, %select_n3A_138 : vector<16xi1>, vector<16xf32>
      %select_n3A_140 = arith.select %eq3A_125, %broadcast_in_dim3A_127, %select_n3A_139 : vector<16xi1>, vector<16xf32>
      %select_n3A_141 = arith.select %eq3A_121, %broadcast_in_dim3A_122, %select_n3A_140 : vector<16xi1>, vector<16xf32>
      %swap3A_142 = arith.constant 0 : index
      %swap3A_143 = tpu.vector_load %arg13[%swap3A_142] {strides = array<i32>} : memref<16xf32, #tpu.memory_space<vmem>>, vector<16xf32>,
      tpu.vector_store %arg13[%swap3A_142], %select_n3A_141 {strides = array<i32>} : memref<16xf32, #tpu.memory_space<vmem>>, vector<16xf32>,
      %jit3A_144 = arith.constant 2 : i32
      %eq3A_145 = arith.constant 0 : i32
      %eq3A_146 = arith.cmpi eq, %jit3A_144, %eq3A_145 : i32
      %jit3A_147 = arith.constant 1 : i32
      %select_n3A_148 = arith.select %eq3A_146, %jit3A_147, %jit3A_144 : i32
      %rem3A = arith.remsi %scan3A_45, %select_n3A_148 : i32
      %ne3A = arith.constant 0 : i32
      %ne3A_149 = arith.cmpi ne, %rem3A, %ne3A : i32
      %lt3A_150 = arith.constant 0 : i32
      %lt3A_151 = arith.cmpi slt, %rem3A, %lt3A_150 : i32
      %lt3A_152 = arith.constant 0 : i32
      %lt3A_153 = arith.cmpi slt, %select_n3A_148, %lt3A_152 : i32
      %ne3A_154 = arith.xori %lt3A_151, %lt3A_153 : i1
      %and3A_155 = arith.andi %ne3A_154, %ne3A_149 : i1
      %add3A_156 = arith.addi %rem3A, %select_n3A_148 : i32
      %select_n3A_157 = arith.select %and3A_155, %add3A_156, %rem3A : i32
      %eq3A_158 = arith.constant 0 : i32
      %eq3A_159 = arith.cmpi eq, %select_n3A_157, %eq3A_158 : i32
      %convert_element_type3A_160 = arith.extui %eq3A_159 : i1 to i32
      %cond3A_161 = arith.constant 0 : i32
      %cond3A_162 = arith.cmpi ne, %convert_element_type3A_160, %cond3A_161 : i32
      scf.if %cond3A_162 {
        %mul3A_263 = arith.constant 16 : i32
        %mul3A_264 = arith.muli %arg1, %mul3A_263 : i32
        "tpu.region"() ({
          %run_scoped3A = tpu.sem_alloc : memref<!tpu.dma_semaphore, #tpu.memory_space<semaphore_mem>>
          %dma_start3A = tpu.memref_slice %arg16[%mul3A_264] : memref<256xf32, #tpu.memory_space<vmem_shared>> -> memref<16xf32, #tpu.memory_space<vmem_shared>>
          %dma_start3A_266 = tpu.memref_slice %arg16[%mul3A_264] : memref<256xf32, #tpu.memory_space<vmem_shared>> -> memref<16xf32, #tpu.memory_space<vmem_shared>>
          tpu.enqueue_dma source(%arg13 : memref<16xf32, #tpu.memory_space<vmem>>) target(%dma_start3A_266 : memref<16xf32, #tpu.memory_space<vmem_shared>>) target_semaphore(%run_scoped3A : memref<!tpu.dma_semaphore, #tpu.memory_space<semaphore_mem>>)
          %dma_wait3A = tpu.memref_slice %arg16[%mul3A_264] : memref<256xf32, #tpu.memory_space<vmem_shared>> -> memref<16xf32, #tpu.memory_space<vmem_shared>>
          %dma_wait3A_267 = tpu.memref_slice %arg16[%mul3A_264] : memref<256xf32, #tpu.memory_space<vmem_shared>> -> memref<16xf32, #tpu.memory_space<vmem_shared>>
          tpu.wait_dma2 semaphore(%run_scoped3A : memref<!tpu.dma_semaphore, #tpu.memory_space<semaphore_mem>>) src(%arg13 : memref<16xf32, #tpu.memory_space<vmem>>) dst(%dma_wait3A_267 : memref<16xf32, #tpu.memory_space<vmem_shared>>)
          tpu.yield
        }) : () -> ()
        %barrier3A_265 = arith.constant 0 : index
        tpu.barrier barrier_id(%barrier3A_265)
        "tpu.region"() ({
          %run_scoped3A = tpu.sem_alloc : memref<!tpu.dma_semaphore, #tpu.memory_space<semaphore_mem>>
          tpu.enqueue_dma source(%arg16 : memref<256xf32, #tpu.memory_space<vmem_shared>>) target(%arg14 : memref<256xf32, #tpu.memory_space<vmem>>) target_semaphore(%run_scoped3A : memref<!tpu.dma_semaphore, #tpu.memory_space<semaphore_mem>>)
          tpu.wait_dma2 semaphore(%run_scoped3A : memref<!tpu.dma_semaphore, #tpu.memory_space<semaphore_mem>>) src(%arg16 : memref<256xf32, #tpu.memory_space<vmem_shared>>) dst(%arg14 : memref<256xf32, #tpu.memory_space<vmem>>)
          tpu.yield
        }) : () -> ()
      } else {
      }
      %jit3A_163 = arith.constant 2 : i32
      %eq3A_164 = arith.constant 0 : i32
      %eq3A_165 = arith.cmpi eq, %jit3A_163, %eq3A_164 : i32
      %jit3A_166 = arith.constant 1 : i32
      %select_n3A_167 = arith.select %eq3A_165, %jit3A_166, %jit3A_163 : i32
      %rem3A_168 = arith.remsi %scan3A_45, %select_n3A_167 : i32
      %ne3A_169 = arith.constant 0 : i32
      %ne3A_170 = arith.cmpi ne, %rem3A_168, %ne3A_169 : i32
      %lt3A_171 = arith.constant 0 : i32
      %lt3A_172 = arith.cmpi slt, %rem3A_168, %lt3A_171 : i32
      %lt3A_173 = arith.constant 0 : i32
      %lt3A_174 = arith.cmpi slt, %select_n3A_167, %lt3A_173 : i32
      %ne3A_175 = arith.xori %lt3A_172, %lt3A_174 : i1
      %and3A_176 = arith.andi %ne3A_175, %ne3A_170 : i1
      %add3A_177 = arith.addi %rem3A_168, %select_n3A_167 : i32
      %select_n3A_178 = arith.select %and3A_176, %add3A_177, %rem3A_168 : i32
      %eq3A_179 = arith.constant 1 : i32
      %eq3A_180 = arith.cmpi eq, %select_n3A_178, %eq3A_179 : i32
      %convert_element_type3A_181 = arith.extui %eq3A_180 : i1 to i32
      %cond3A_182 = arith.constant 0 : i32
      %cond3A_183 = arith.cmpi ne, %convert_element_type3A_181, %cond3A_182 : i32
      scf.if %cond3A_183 {
        %mul3A_263 = arith.constant 16 : i32
        %mul3A_264 = arith.muli %arg1, %mul3A_263 : i32
        "tpu.region"() ({
          %run_scoped3A = tpu.sem_alloc : memref<!tpu.dma_semaphore, #tpu.memory_space<semaphore_mem>>
          %dma_start3A = tpu.memref_slice %arg17[%mul3A_264] : memref<256xf32, #tpu.memory_space<vmem_shared>> -> memref<16xf32, #tpu.memory_space<vmem_shared>>
          %dma_start3A_266 = tpu.memref_slice %arg17[%mul3A_264] : memref<256xf32, #tpu.memory_space<vmem_shared>> -> memref<16xf32, #tpu.memory_space<vmem_shared>>
          tpu.enqueue_dma source(%arg13 : memref<16xf32, #tpu.memory_space<vmem>>) target(%dma_start3A_266 : memref<16xf32, #tpu.memory_space<vmem_shared>>) target_semaphore(%run_scoped3A : memref<!tpu.dma_semaphore, #tpu.memory_space<semaphore_mem>>)
          %dma_wait3A = tpu.memref_slice %arg17[%mul3A_264] : memref<256xf32, #tpu.memory_space<vmem_shared>> -> memref<16xf32, #tpu.memory_space<vmem_shared>>
          %dma_wait3A_267 = tpu.memref_slice %arg17[%mul3A_264] : memref<256xf32, #tpu.memory_space<vmem_shared>> -> memref<16xf32, #tpu.memory_space<vmem_shared>>
          tpu.wait_dma2 semaphore(%run_scoped3A : memref<!tpu.dma_semaphore, #tpu.memory_space<semaphore_mem>>) src(%arg13 : memref<16xf32, #tpu.memory_space<vmem>>) dst(%dma_wait3A_267 : memref<16xf32, #tpu.memory_space<vmem_shared>>)
          tpu.yield
        }) : () -> ()
        %barrier3A_265 = arith.constant 0 : index
        tpu.barrier barrier_id(%barrier3A_265)
        "tpu.region"() ({
          %run_scoped3A = tpu.sem_alloc : memref<!tpu.dma_semaphore, #tpu.memory_space<semaphore_mem>>
          tpu.enqueue_dma source(%arg17 : memref<256xf32, #tpu.memory_space<vmem_shared>>) target(%arg14 : memref<256xf32, #tpu.memory_space<vmem>>) target_semaphore(%run_scoped3A : memref<!tpu.dma_semaphore, #tpu.memory_space<semaphore_mem>>)
          tpu.wait_dma2 semaphore(%run_scoped3A : memref<!tpu.dma_semaphore, #tpu.memory_space<semaphore_mem>>) src(%arg17 : memref<256xf32, #tpu.memory_space<vmem_shared>>) dst(%arg14 : memref<256xf32, #tpu.memory_space<vmem>>)
          tpu.yield
        }) : () -> ()
      } else {
      }
      %mul3A_184 = arith.constant 16 : i32
      %mul3A_185 = vector.broadcast %mul3A_184 : i32 to vector<16xi32>
      %mul3A_186 = arith.muli %iota3A, %mul3A_185 : vector<16xi32>
      %add3A_187 = arith.constant 0 : i32
      %add3A_188 = vector.broadcast %add3A_187 : i32 to vector<16xi32>
      %add3A_189 = arith.addi %mul3A_186, %add3A_188 : vector<16xi32>
      %gather3A_190 = tpu.vector_load_idx %arg14[%add3A_189] : memref<256xf32, #tpu.memory_space<vmem>>[vector<16xi32>], vector<16xf32>,
      %mul3A_191 = arith.constant 16 : i32
      %mul3A_192 = vector.broadcast %mul3A_191 : i32 to vector<16xi32>
      %mul3A_193 = arith.muli %iota3A, %mul3A_192 : vector<16xi32>
      %add3A_194 = arith.constant 1 : i32
      %add3A_195 = vector.broadcast %add3A_194 : i32 to vector<16xi32>
      %add3A_196 = arith.addi %mul3A_193, %add3A_195 : vector<16xi32>
      %gather3A_197 = tpu.vector_load_idx %arg14[%add3A_196] : memref<256xf32, #tpu.memory_space<vmem>>[vector<16xi32>], vector<16xf32>,
      %reduce_max3A_198 = arith.constant true
      %reduce_max3A_199 = vector.broadcast %reduce_max3A_198 : i1 to vector<16xi1>
      %reduce_max3A_200 = tpu.scan <max>, %gather3A_190 masked %reduce_max3A_199 : vector<16xf32>, vector<16xi1> -> vector<16xf32>
      %reduce_max3A_201 = vector.extract %reduce_max3A_200[15] : f32 from vector<16xf32>
      %gt3A_202 = arith.constant 0xFF800000 : f32
      %gt3A_203 = arith.cmpf ogt, %reduce_max3A_201, %gt3A_202 : f32
      %eq3A_204 = vector.broadcast %reduce_max3A_201 : f32 to vector<16xf32>
      %eq3A_205 = arith.cmpf oeq, %gather3A_190, %eq3A_204 : vector<16xf32>
      %jit3A_206 = arith.constant 1.000000e+30 : f32
      %broadcast_in_dim3A_207 = vector.broadcast %jit3A_206 : f32 to vector<16xf32>
      %select_n3A_208 = arith.select %eq3A_205, %gather3A_197, %broadcast_in_dim3A_207 : vector<16xi1>, vector<16xf32>
      %reduce_min3A_209 = arith.constant true
      %reduce_min3A_210 = vector.broadcast %reduce_min3A_209 : i1 to vector<16xi1>
      %reduce_min3A_211 = tpu.scan <min>, %select_n3A_208 masked %reduce_min3A_210 : vector<16xf32>, vector<16xi1> -> vector<16xf32>
      %reduce_min3A_212 = vector.extract %reduce_min3A_211[15] : f32 from vector<16xf32>
      %jit3A_213 = arith.constant 0.000000e+00 : f32
      %jit3A_214 = arith.constant 2.047900e+04 : f32
      %max3A_215 = arith.maximumf %jit3A_213, %reduce_min3A_212 : f32
      %min3A_216 = arith.minimumf %jit3A_214, %max3A_215 : f32
      %convert_element_type3A_217 = arith.fptosi %min3A_216 : f32 to i32
      %jit3A_218 = arith.constant 1280 : i32
      %div3A = arith.divsi %convert_element_type3A_217, %jit3A_218 : i32
      %sign3A = arith.constant 0 : i32
      %sign3A_219 = arith.cmpi sgt, %convert_element_type3A_217, %sign3A : i32
      %sign3A_220 = arith.extui %sign3A_219 : i1 to i32
      %sign3A_221 = arith.constant 0 : i32
      %sign3A_222 = arith.cmpi slt, %convert_element_type3A_217, %sign3A_221 : i32
      %sign3A_223 = arith.extui %sign3A_222 : i1 to i32
      %sign3A_224 = arith.subi %sign3A_220, %sign3A_223 : i32
      %sign3A_225 = arith.constant 0 : i32
      %sign3A_226 = arith.cmpi sgt, %jit3A_218, %sign3A_225 : i32
      %sign3A_227 = arith.extui %sign3A_226 : i1 to i32
      %sign3A_228 = arith.constant 0 : i32
      %sign3A_229 = arith.cmpi slt, %jit3A_218, %sign3A_228 : i32
      %sign3A_230 = arith.extui %sign3A_229 : i1 to i32
      %sign3A_231 = arith.subi %sign3A_227, %sign3A_230 : i32
      %ne3A_232 = arith.cmpi ne, %sign3A_224, %sign3A_231 : i32
      %rem3A_233 = arith.remsi %convert_element_type3A_217, %jit3A_218 : i32
      %ne3A_234 = arith.constant 0 : i32
      %ne3A_235 = arith.cmpi ne, %rem3A_233, %ne3A_234 : i32
      %and3A_236 = arith.andi %ne3A_232, %ne3A_235 : i1
      %sub3A_237 = arith.constant 1 : i32
      %sub3A_238 = arith.subi %div3A, %sub3A_237 : i32
      %select_n3A_239 = arith.select %and3A_236, %sub3A_238, %div3A : i32
      %mul3A_240 = arith.constant 16 : i32
      %mul3A_241 = arith.muli %select_n3A_239, %mul3A_240 : i32
      %add3A_242 = arith.constant 2 : i32
      %add3A_243 = arith.addi %mul3A_241, %add3A_242 : i32
      %broadcast_in_dim3A_244 = vector.broadcast %add3A_243 : i32 to vector<16xi32>
      %gather3A_245 = tpu.vector_load_idx %arg14[%broadcast_in_dim3A_244] : memref<256xf32, #tpu.memory_space<vmem>>[vector<16xi32>], vector<16xf32>,
      %add3A_246 = arith.constant 3 : i32
      %add3A_247 = arith.addi %mul3A_241, %add3A_246 : i32
      %broadcast_in_dim3A_248 = vector.broadcast %add3A_247 : i32 to vector<16xi32>
      %gather3A_249 = tpu.vector_load_idx %arg14[%broadcast_in_dim3A_248] : memref<256xf32, #tpu.memory_space<vmem>>[vector<16xi32>], vector<16xf32>,
      %add3A_250 = arith.constant 4 : i32
      %add3A_251 = arith.addi %mul3A_241, %add3A_250 : i32
      %broadcast_in_dim3A_252 = vector.broadcast %add3A_251 : i32 to vector<16xi32>
      %gather3A_253 = tpu.vector_load_idx %arg14[%broadcast_in_dim3A_252] : memref<256xf32, #tpu.memory_space<vmem>>[vector<16xi32>], vector<16xf32>,
      %add3A_254 = arith.constant 5 : i32
      %add3A_255 = arith.addi %mul3A_241, %add3A_254 : i32
      %broadcast_in_dim3A_256 = vector.broadcast %add3A_255 : i32 to vector<16xi32>
      %gather3A_257 = tpu.vector_load_idx %arg14[%broadcast_in_dim3A_256] : memref<256xf32, #tpu.memory_space<vmem>>[vector<16xi32>], vector<16xf32>,
      %eq3A_258 = arith.constant 0 : i32
      %eq3A_259 = arith.cmpi eq, %arg1, %eq3A_258 : i32
      %convert_element_type3A_260 = arith.extui %eq3A_259 : i1 to i32
      %cond3A_261 = arith.constant 0 : i32
      %cond3A_262 = arith.cmpi ne, %convert_element_type3A_260, %cond3A_261 : i32
      scf.if %cond3A_262 {
        %jit3A_263 = arith.constant 1.000000e+00 : f32
        %jit3A_264 = arith.constant 0.000000e+00 : f32
        %select_n3A_265 = arith.select %gt3A_203, %jit3A_263, %jit3A_264 : f32
        %eq3A_266 = arith.constant 0 : i32
        %eq3A_267 = vector.broadcast %eq3A_266 : i32 to vector<16xi32>
        %eq3A_268 = arith.cmpi eq, %iota3A, %eq3A_267 : vector<16xi32>
        %mul3A_269 = vector.broadcast %select_n3A_265 : f32 to vector<16xf32>
        %mul3A_270 = arith.mulf %gather3A_245, %mul3A_269 : vector<16xf32>
        %mul3A_271 = vector.broadcast %select_n3A_265 : f32 to vector<16xf32>
        %mul3A_272 = arith.mulf %gather3A_249, %mul3A_271 : vector<16xf32>
        %mul3A_273 = vector.broadcast %select_n3A_265 : f32 to vector<16xf32>
        %mul3A_274 = arith.mulf %gather3A_253, %mul3A_273 : vector<16xf32>
        %mul3A_275 = vector.broadcast %select_n3A_265 : f32 to vector<16xf32>
        %mul3A_276 = arith.mulf %gather3A_257, %mul3A_275 : vector<16xf32>
        %jit3A_277 = arith.constant 0.000000e+00 : f32
        %select_n3A_278 = arith.select %gt3A_203, %reduce_max3A_201, %jit3A_277 : f32
        %broadcast_in_dim3A_279 = vector.broadcast %select_n3A_278 : f32 to vector<16xf32>
        %add3A_280 = arith.constant 0 : i32
        %add3A_281 = arith.addi %add3A_280, %scan3A_45 : i32
        %broadcast_in_dim3A_282 = vector.broadcast %add3A_281 : i32 to vector<16xi32>
        tpu.vector_store_idx %arg15[%broadcast_in_dim3A_282], %mul3A_270 masked %eq3A_268 : memref<1024xf32, #tpu.memory_space<vmem>>[vector<16xi32>], vector<16xf32>, vector<16xi1>
        %add3A_283 = arith.constant 128 : i32
        %add3A_284 = arith.addi %add3A_283, %scan3A_45 : i32
        %broadcast_in_dim3A_285 = vector.broadcast %add3A_284 : i32 to vector<16xi32>
        tpu.vector_store_idx %arg15[%broadcast_in_dim3A_285], %mul3A_272 masked %eq3A_268 : memref<1024xf32, #tpu.memory_space<vmem>>[vector<16xi32>], vector<16xf32>, vector<16xi1>
        %add3A_286 = arith.constant 256 : i32
        %add3A_287 = arith.addi %add3A_286, %scan3A_45 : i32
        %broadcast_in_dim3A_288 = vector.broadcast %add3A_287 : i32 to vector<16xi32>
        tpu.vector_store_idx %arg15[%broadcast_in_dim3A_288], %mul3A_274 masked %eq3A_268 : memref<1024xf32, #tpu.memory_space<vmem>>[vector<16xi32>], vector<16xf32>, vector<16xi1>
        %add3A_289 = arith.constant 384 : i32
        %add3A_290 = arith.addi %add3A_289, %scan3A_45 : i32
        %broadcast_in_dim3A_291 = vector.broadcast %add3A_290 : i32 to vector<16xi32>
        tpu.vector_store_idx %arg15[%broadcast_in_dim3A_291], %mul3A_276 masked %eq3A_268 : memref<1024xf32, #tpu.memory_space<vmem>>[vector<16xi32>], vector<16xf32>, vector<16xi1>
        %add3A_292 = arith.constant 512 : i32
        %add3A_293 = arith.addi %add3A_292, %scan3A_45 : i32
        %broadcast_in_dim3A_294 = vector.broadcast %add3A_293 : i32 to vector<16xi32>
        tpu.vector_store_idx %arg15[%broadcast_in_dim3A_294], %broadcast_in_dim3A_279 masked %eq3A_268 : memref<1024xf32, #tpu.memory_space<vmem>>[vector<16xi32>], vector<16xf32>, vector<16xi1>
        %add3A_295 = arith.constant 640 : i32
        %add3A_296 = arith.addi %add3A_295, %scan3A_45 : i32
        %broadcast_in_dim3A_297 = vector.broadcast %add3A_296 : i32 to vector<16xi32>
        %broadcast_in_dim3A_298 = vector.broadcast %select_n3A_265 : f32 to vector<16xf32>
        tpu.vector_store_idx %arg15[%broadcast_in_dim3A_297], %broadcast_in_dim3A_298 masked %eq3A_268 : memref<1024xf32, #tpu.memory_space<vmem>>[vector<16xi32>], vector<16xf32>, vector<16xi1>
      } else {
      }
      scf.yield %gather3A_245, %gather3A_249, %gather3A_253, %gather3A_257 : vector<16xf32>, vector<16xf32>, vector<16xf32>, vector<16xf32>
    }
    %scan3A_39 = arith.constant 100 : i32
    %eq3A_40 = arith.constant 0 : i32
    %eq3A_41 = arith.cmpi eq, %arg1, %eq3A_40 : i32
    %convert_element_type3A_42 = arith.extui %eq3A_41 : i1 to i32
    %cond3A_43 = arith.constant 0 : i32
    %cond3A_44 = arith.cmpi ne, %convert_element_type3A_42, %cond3A_43 : i32
    scf.if %cond3A_44 {
      "tpu.region"() ({
        %run_scoped3A = tpu.sem_alloc : memref<!tpu.dma_semaphore, #tpu.memory_space<semaphore_mem>>
        tpu.enqueue_dma source(%arg15 : memref<1024xf32, #tpu.memory_space<vmem>>) target(%arg7 : memref<1024xf32, #tpu.memory_space<hbm>>) target_semaphore(%run_scoped3A : memref<!tpu.dma_semaphore, #tpu.memory_space<semaphore_mem>>)
        tpu.wait_dma2 semaphore(%run_scoped3A : memref<!tpu.dma_semaphore, #tpu.memory_space<semaphore_mem>>) src(%arg15 : memref<1024xf32, #tpu.memory_space<vmem>>) dst(%arg7 : memref<1024xf32, #tpu.memory_space<hbm>>)
        tpu.yield
      }) : () -> ()
    } else {
    }
    return
  }
}

</mosaic_0001>

<sc_bundles>
// kernel: kernel.3.cloned.1.call-start
scs
__scs_entry_jumppad:
0x0: {  	(pc) =	sbr.rel $0x88, $3  }
0x1: {  	(tag) =	ssettag $0x0;
	lr =	simm.s32 $0x1  }
0x2: {  	[smem:$0x3F9F] =	sst lr;
	_ =	strace $0xD0000000  }
0x3: {  	_ = 	snop  }
0x4: {  	_ = 	snop  }
0x5: {  	_ = 	snop  }
0x6: {  	_ = 	snop  }
0x7: {  	_ = 	snop  }
__scs_overlays_trampoline_lowered:
0x8: {  	[smem:$0x3FAE] =	sst s0  }
0x9: {  	[smem:$0x3FAF] =	sst s1  }
0xa: {  	[smem:$0x3FB0] =	sst s2  }
0xb: {  	[smem:$0x3FB1] =	sst s3  }
0xc: {  	[smem:$0x3FB2] =	sst s4  }
0xd: {  	[smem:$0x3FB3] =	sst s5  }
0xe: {  	[smem:$0x3FB4] =	sst s6  }
0xf: {  	[smem:$0x3FB5] =	sst s7  }
0x10: {  	[smem:$0x3FB6] =	sst s8  }
0x11: {  	[smem:$0x3FB7] =	sst s9;
	s0 =	simm.s32 @!p0 $0x0  }
0x12: {  	s1 =	sld [smem:$0x3F9D];
	s0 =	simm.s32 @p0 $0x1  }
0x13: {  	[smem:$0x3FB8] =	sst s0;
	s0 =	simm.s32 @!p1 $0x0  }
0x14: {  	s2 =	sld [smem:$0x3F9C];
	s0 =	simm.s32 @p1 $0x1  }
0x15: {  	[smem:$0x3FB9] =	sst s0;
	s0 =	simm.s32 @!p2 $0x0  }
0x16: {  	s3 =	sld [smem:$0x3FDB];
	s0 =	simm.s32 @p2 $0x1  }
0x17: {  	s4 =	simm.s32 $0x1BF5;
	[smem:$0x3FBB] =	sst s0  }
0x18: {  	s0 =	sld [smem:$0x3F9E];
	_ =	swait.ge [sflag:s4], $0x0  }
0x19: {  	s7 =	sld [smem:$0x3F9F]  }
0x1a: {  	s8 =	sadd.s32 $0xFFFFE003, lr  }
0x1b: {  	s9 =	sadd.s32 $0xFFFFFEF7, lr;
	s5 =	simm.s32 $0xFFFFFFFF;
	p2 =	slt.u32 s8, $0xFFFFF086  }
0x1c: {  	p1 =	slt.u32 s9, $0xF7A;
	s5 =	simm.s32 @!p2 $0x0  }
0x1d: {  	s5 =	simm.s32 @p1 $0x1;
	p0 =	seq.s32 s7, s2  }
0x1e: {  	s7 =	smul.u32 @!p0 $0xF7A, s2;
	p2 =	seq.s32 @!p0 s5, $0x0  }
0x1f: {  	s9 =	smul.u32 $0xF7A, s1;
	s8 =	simm.s32 @!p0 $0x1BF5;
	p2 =	por !p2, p0  }
0x20: {  	[sflag:s8] =	ssyncset.s32 @!p0 $0xFFFFF086;
	s6 =	sadd.s32 @!p0 s3, s7;
	s7 =	simm.s32 @!p0 $0x108  }
0x21: {  	s3 =	sadd.s32 s3, s9;
	s6 =	sadd.s32 @!p0 $0x88, s6;
	s7 =	simm.s32 @p2 $0x1082  }
0x22: {  	[simem:s7], [sflag:s8] =	dma.local @!p0 [hbm:s6], $0xF7A  }
0x23: {  	s9 =	sor.u32 $0xD0000000, s2;
	s6 =	simm.s32 $0x108;
	_ =	swait.ge @!p0 [sflag:s8], $0x0  }
0x24: {  	s3 =	sadd.s32 $0x88, s3;
	s6 =	simm.s32 @!p1 $0x1082;
	[sflag:s4] =	ssyncset.s32 $0xFFFFF086  }
0x25: {  	[simem:s6], [sflag:s4] =	dma.local [hbm:s3], $0xF7A  }
0x26: {  	[smem:$0x3F9F] =	sst s1;
	(tag) =	ssettag s2;
	_ =	strace s9  }
0x27: {  	s1 =	sld [smem:$0x3FAF]  }
0x28: {  	s2 =	sld [smem:$0x3FB0]  }
0x29: {  	s4 =	sld [smem:$0x3FB2]  }
0x2a: {  	p0 =	seq.s32 s5, $0x0;
	s5 =	sld [smem:$0x3FB3]  }
0x2b: {  	s6 =	sld [smem:$0x3FB4]  }
0x2c: {  	s7 =	sld [smem:$0x3FB5]  }
0x2d: {  	s3 =	simm.s32 $0x108;
	s8 =	sld [smem:$0x3FB6]  }
0x2e: {  	s3 =	simm.s32 @!p0 $0x1082;
	s9 =	sld [smem:$0x3FB7]  }
0x2f: {  	lr =	sadd.s32 s0, s3;
	s0 =	sld [smem:$0x3FAE]  }
0x30: {  	s3 =	sld [smem:$0x3FB1]  }
0x31: {  	[smem:$0x3FBA] =	sst s10  }
0x32: {  	s10 =	sld [smem:$0x3FB8];
	_ =	sdelay $0x3  }
0x33: {  	p0 =	seq.s32 s10, $0x1;
	s10 =	sld [smem:$0x3FBA];
	_ =	sdelay $0x3  }
0x34: {  	[smem:$0x3FBA] =	sst s10  }
0x35: {  	s10 =	sld [smem:$0x3FB9];
	_ =	sdelay $0x3  }
0x36: {  	p1 =	seq.s32 s10, $0x1;
	s10 =	sld [smem:$0x3FBA];
	_ =	sdelay $0x3  }
0x37: {  	[smem:$0x3FBA] =	sst s10  }
0x38: {  	s10 =	sld [smem:$0x3FBB]  }
0x39: {  	_ = 	snop;
	(pc) =	sbr.ind lr, $3  }
0x3a: {  	_ = 	snop  }
0x3b: {  	_ = 	snop  }
0x3c: {  	p2 =	seq.s32 s10, $0x1;
	s10 =	sld [smem:$0x3FBA]  }
0x3d: {  	_ =	shalt  }
0x3e: {  	_ =	shalt  }
0x3f: {  	_ =	shalt  }
0x40: {  	_ =	shalt  }
0x41: {  	_ =	shalt  }
0x42: {  	_ =	shalt  }
0x43: {  	_ =	shalt  }
0x44: {  	_ =	shalt  }
0x45: {  	_ =	shalt  }
0x46: {  	_ =	shalt  }
0x47: {  	_ =	shalt  }
0x48: {  	_ =	shalt  }
0x49: {  	_ =	shalt  }
0x4a: {  	_ =	shalt  }
0x4b: {  	_ =	shalt  }
0x4c: {  	_ =	shalt  }
0x4d: {  	_ =	shalt  }
0x4e: {  	_ =	shalt  }
0x4f: {  	_ =	shalt  }
0x50: {  	_ =	shalt  }
0x51: {  	_ =	shalt  }
0x52: {  	_ =	shalt  }
0x53: {  	_ =	shalt  }
0x54: {  	_ =	shalt  }
0x55: {  	_ =	shalt  }
0x56: {  	_ =	shalt  }
0x57: {  	_ =	shalt  }
0x58: {  	_ =	shalt  }
0x59: {  	_ =	shalt  }
0x5a: {  	_ =	shalt  }
0x5b: {  	_ =	shalt  }
0x5c: {  	_ =	shalt  }
0x5d: {  	_ =	shalt  }
0x5e: {  	_ =	shalt  }
0x5f: {  	_ =	shalt  }
0x60: {  	_ =	shalt  }
0x61: {  	_ =	shalt  }
0x62: {  	_ =	shalt  }
0x63: {  	_ =	shalt  }
0x64: {  	_ =	shalt  }
0x65: {  	_ =	shalt  }
0x66: {  	_ =	shalt  }
0x67: {  	_ =	shalt  }
0x68: {  	_ =	shalt  }
0x69: {  	_ =	shalt  }
0x6a: {  	_ =	shalt  }
0x6b: {  	_ =	shalt  }
0x6c: {  	_ =	shalt  }
0x6d: {  	_ =	shalt  }
0x6e: {  	_ =	shalt  }
0x6f: {  	_ =	shalt  }
0x70: {  	_ =	shalt  }
0x71: {  	_ =	shalt  }
0x72: {  	_ =	shalt  }
0x73: {  	_ =	shalt  }
0x74: {  	_ =	shalt  }
0x75: {  	_ =	shalt  }
0x76: {  	_ =	shalt  }
0x77: {  	_ =	shalt  }
0x78: {  	_ =	shalt  }
0x79: {  	_ =	shalt  }
0x7a: {  	_ =	shalt  }
0x7b: {  	_ =	shalt  }
0x7c: {  	_ =	shalt  }
0x7d: {  	_ =	shalt  }
0x7e: {  	_ =	shalt  }
0x7f: {  	_ =	shalt  }
0x80: {  	_ =	shalt  }
0x81: {  	_ =	shalt  }
0x82: {  	_ =	shalt  }
0x83: {  	_ =	shalt  }
0x84: {  	_ =	shalt  }
0x85: {  	_ =	shalt  }
0x86: {  	_ =	shalt  }
0x87: {  	_ =	shalt  }
.Lfunc_end0:
.L_simem_size_0:
called_computation_lowered:
.L_overlay_start_0:
0x88: {  	s0 =	sld [smem:$0x3FD9]  }
0x89: {  	s1 =	sld [smem:$0x3FFE];
	_ =	sdelay $0x3  }
0x8a: {  	s0 =	sadd.s32 s1, s0  }
0x8b: {  	[smem:$0x3FC6] =	sst s0  }
0x8c: {  	_ = 	snop  }
0x8d: {  	(tm) =	ssettm $0x1  }
0x8e: {  	s15 =	sld [smem:$0x3FFB];
	_ =	sdelay $0x3  }
0x8f: {  	_ =	strace s15  }
0x90: {  	s0 =	sld [smem:$0x3FFC];
	_ =	sdelay $0x3  }
0x91: {  	_ =	strace s0  }
0x92: {  	s0 =	sld [smem:$0x3FFD];
	_ =	sdelay $0x3  }
0x93: {  	_ =	strace s0  }
0x94: {  	_ =	strace $0x8FFFFFFF  }
0x95: {  	s16 =	sld [smem:$0x3FDB];
	_ =	sdelay $0x1  }
0x96: {  	s17 =	simm.s32 $_scs_section_size  }
0x97: {  	s2 =	simm.s32 $_size__tile_overlayer_lowered;
	s3 =	simm.s32 $_tile_overlayer_lowered  }
0x98: {  	s20 =	simm.s32 $0x1BFF;
	s19 =	sshll.u32 s3, $0x1;
	s0 =	sadd.s32 s17, s16  }
0x99: {  	s4 =	simm.s32 $0x0;
	s18 =	sshll.u32 s2, $0x1;
	s2 =	sadd.s32 s19, s0  }
0x9a: {  	[timem:s4], [sflag:s20] =	dma.local [hbm:s2], s18  }
0x9b: {  	_ =	swait.ge [sflag:s20], s18  }
0x9c: {  	s1 =	ssub.s32 $0x0, s18;
	[sflag:s20] =	ssyncset.done $0x0  }
0x9d: {  	[sflag:s20] =	ssyncadd.s32 s1;
	_ =	sdelay $0x1  }
0x9e: {  	s21 =	simm.s32 $0x1B8B  }
0x9f: {  	_ =	swait.ge [sflag:s21], $0x1  }
0xa0: {  	[sflag:s21] =	ssyncset.done $0x0  }
0xa1: {  	s23 =	simm.s32 $0x1B8E;
	s22 =	sld [smem:$0x3FFE];
	[sflag:s21] =	ssyncadd.s32 $0xFFFFFFFF  }
0xa2: {  	s24 =	simm.s32 $execute0_lowered;
	[smem:$0x3FD2] =	sst s23  }
0xa3: {  	s2 =	sshll.u32 s24, $0x1;
	_ =	strace $0x80000046;
	[dreg:$0x1] =	wrdreg $0xFFFFFFFF  }
0xa4: {  	s25 =	simm.s32 $_size_execute0_lowered;
	s0 =	sadd.s32 s0, s2;
	[dreg:$0x0] =	wrdreg $0x0  }
0xa5: {  	s2 =	sshll.u32 s25, $0x1;
	[dreg:$0x2] =	wrdreg s0  }
0xa6: {  	[dreg:$0x3] =	wrdreg s2  }
0xa7: {  	[dreg:$0x4] =	wrdreg $0xC0  }
0xa8: {  	_ =	task [dreg:s4], $0x5FFFF  }
0xa9: {  	[dreg:$0x1] =	wrdreg $0xFFFFFFFF  }
0xaa: {  	[dreg:$0x0] =	wrdreg $0x60  }
0xab: {  	[dreg:$0x2] =	wrdreg s22  }
0xac: {  	[dreg:$0x3] =	wrdreg $0x1E800  }
0xad: {  	[dreg:$0x4] =	wrdreg $0x1E900  }
0xae: {  	[dreg:$0x5] =	wrdreg $0x9  }
0xaf: {  	_ =	task.clear_ibuf [dreg:s4], $0x6FFFF;
	_ =	strace $0x90000046  }
0xb0: {  	s26 =	simm.s32 $0x9;
	_ =	strace $0x80000048  }
0xb1: {  	_ =	swait.ge [sflag:s26], $0x1  }
0xb2: {  	[sflag:s26] =	ssyncadd.s32 $0xFFFFFFFF  }
0xb3: {  	_ =	strace $0x90000048  }
0xb4: {  	_ =	sfence  }
0xb5: {  	s28 =	sld [smem:$0x0];
	_ =	sdelay $0x1  }
0xb6: {  	s29 =	srdreg.scid  }
0xb7: {  	s30 =	sshll.u32 s29, $0xD;
	s31 =	sshrl.u32 s29, $0x2  }
0xb8: {  	s1 =	sand.u32 $0x1, s29;
	s2 =	sand.u32 $0x4000, s30;
	s0 =	sadd.s32 s31, s28  }
0xb9: {  	s1 =	sor.u32 s2, s1;
	s0 =	sshll.u32 s0, $0x11  }
0xba: {  	s0 =	sor.u32 s0, s1  }
0xbb: {  	s0 =	sadd.s32 $0x8F2B, s0  }
0xbc: {  	[sflag:s0] =	ssyncadd.remote.s32 $0x1  }
0xbd: {  	_ =	sfence.sel $0xFFFF  }
0xbe: {  	[dreg:$0x0] =	wrdreg $0xFFFFFFFF;
	(pc) =	sbr.abs _section_cstart, $3  }
0xbf: {  	[dreg:$0x1] =	wrdreg $0xFFFFFFFF  }
0xc0: {  	_ =	task.clear_ibuf [dreg:s4], $0x2FFFF;
	_ =	strace $0x9FFFFFFF  }
0xc1: {  	(tm) =	ssettm $0x7FFFFFFF  }
tec
execute0_lowered:
.L_overlay_start_1:
0x0: {  	(tag) =	ssettag $0x1  }
0x1: {  	s4 =	rddreg [dreg:$0x0];
	s6 =	stileid.u32  }
0x2: {  	s1 =	rddreg [dreg:$0x1];
	s2 =	smul.u32 $0x500, s6  }
0x3: {  	s3 =	rddreg [dreg:$0x2]  }
0x4: {  	s0 =	rddreg [dreg:$0x3];
	s5 =	simm.s32 $0x0;
	s7 =	sshrl.u32 s2, $0x3  }
0x5: {  	[smem:$0x7FF] =	sst s5;
	s7 =	sadd.s32 s7, s4  }
0x6: {  	s24 =	simm.s32 $0x1;
	_ =	strace $0x80000047;
	s8 =	sadd.s32 $0x2800, s7  }
0x7: {  	[tilespmem:s5], [sflag:$0x1] =	stream.linear.gather [hbm4b:s8+s5], $0x500, $0x38;
	[tilespmem:$0x1EA0] =	vst v63  }
0x8: {  	_ =	swait.ge [sflag:s24], $0x500  }
0x9: {  	[sflag:s24] =	ssyncset.done $0x0  }
0xa: {  	s10 =	simm.s32 $0x500;
	s9 =	sadd.s32 $0x1400, s7;
	[sflag:s24] =	ssyncadd.s32 $0xFFFFFB00  }
0xb: {  	[tilespmem:s10], [sflag:$0x1] =	stream.linear.gather [hbm4b:s9+s5], $0x500, $0x38;
	[tilespmem:$0x1EA0] =	vst v63  }
0xc: {  	_ =	swait.ge [sflag:s24], $0x500  }
0xd: {  	[sflag:s24] =	ssyncset.done $0x0  }
0xe: {  	s26 =	simm.s32 $0xA00;
	s25 =	sadd.s32 $0x1E00, s7;
	[sflag:s24] =	ssyncadd.s32 $0xFFFFFB00  }
0xf: {  	[tilespmem:s26], [sflag:$0x1] =	stream.linear.gather [hbm4b:s25+s5], $0x500, $0x38;
	[tilespmem:$0x1EA0] =	vst v63  }
0x10: {  	_ =	swait.ge [sflag:s24], $0x500  }
0x11: {  	[sflag:s24] =	ssyncset.done $0x0  }
0x12: {  	s29 =	simm.s32 $0xF00;
	s28 =	sadd.s32 $0xA00, s7;
	[sflag:s24] =	ssyncadd.s32 $0xFFFFFB00  }
0x13: {  	[tilespmem:s29], [sflag:$0x1] =	stream.linear.gather [hbm4b:s28+s5], $0x500, $0x38;
	[tilespmem:$0x1EA0] =	vst v63  }
0x14: {  	_ =	swait.ge [sflag:s24], $0x500  }
0x15: {  	[sflag:s24] =	ssyncset.done $0x0  }
0x16: {  	s30 =	simm.s32 $0x1400;
	s7 =	sadd.s32 $0x3200, s7;
	[sflag:s24] =	ssyncadd.s32 $0xFFFFFB00  }
0x17: {  	[tilespmem:s30], [sflag:$0x1] =	stream.linear.gather [hbm4b:s7+s5], $0x500, $0x38;
	[tilespmem:$0x1EA0] =	vst v63  }
0x18: {  	_ =	swait.ge [sflag:s24], $0x500  }
0x19: {  	[sflag:s24] =	ssyncset.done $0x0  }
0x1a: {  	s31 =	simm.s32 $0x0;
	[sflag:s24] =	ssyncadd.s32 $0xFFFFFB00  }
0x1b: {  	v0 =	vimm.f32 $-Inf;
	s4 =	sadd.s32 $0x3C00, s4;
	s5 =	simm.s32 $0x40;
	v1 =	vld [tilespmem:s31+$0x1400]  }
.LBB2_1:
0x1c: {  	p0 =	sne.s32 s5, $0x13C0  }
.Ltmp0:
0x1d: {  	_ = 	snop;
	(pc) =	sbr.rel @p0 .LBB2_1-.Ltmp0, $3  }
0x1e: {  	_ =	sdelay $0x1  }
0x1f: {  	s7 =	sshra.s32 s5, $0x2;
	s5 =	sadd.s32 $0x40, s5;
	v0 =	vmax.f32 v0, v1  }
0x20: {  	v1 =	vld [tilespmem:s7+$0x1400]  }
0x21: {  	_ =	sdelay $0x3  }
0x22: {  	v0 =	vmax.f32 v0, v1  }
0x23: {  	(xrf0) =	vmax.scan.msk.f32 $0xffff, v0;
	_ =	sdelay $0x5  }
0x24: {  	v0, _, _ =	vpop (xrf0)  }
0x25: {  	v0 =	vbroadcast v0, $0xF  }
0x26: {  	s7 =	sshll.u32 s6, $0x4  }
0x27: {  	s8 =	simm.s32 $0x1900;
	s30 =	simm.s32 $0x1;
	s5 =	sadd.s32 s7, s1;
	[tilespmem:$0x1900] =	vst v0  }
0x28: {  	[spmem:s5] =	stream.linear.scatter [tilespmem:s8], [sflag:$0x1], $0x10, $0x38;
	[tilespmem:$0x1EA0] =	vst v63  }
0x29: {  	_ =	swait.ge [sflag:s30], $0x10  }
0x2a: {  	[sflag:s30] =	ssyncset.done $0x0  }
0x2b: {  	v0 =	vlaneseq.u32;
	[sflag:s30] =	ssyncadd.s32 $0xFFFFFFF0  }
0x2c: {  	s9 =	simm.s32 $0x1980;
	v0 =	vmul.u32 $0x10, v0;
	[bflag:$0x0] =	sbarrier.arrive $0xFFFF  }
0x2d: {  	[tilespmem:s9], [sflag:$0x1] =	stream.linear.gather [spmem:s1], $0x100, $0x38;
	[tilespmem:$0x1EA0] =	vst v63  }
0x2e: {  	_ =	swait.ge [sflag:s30], $0x100  }
0x2f: {  	[sflag:s30] =	ssyncset.done $0x0  }
0x30: {  	[sflag:s30] =	ssyncadd.s32 $0xFFFFFF00  }
0x31: {  	[bflag:$0x0] =	sbarrier.arrive $0xFFFF  }
0x32: {  	v0 =	vld.idx.msk [tilespmem:v0+s9+$0x0], $0xffff;
	_ =	sdelay $0x4  }
0x33: {  	(xrf0) =	vmax.scan.msk.f32 $0xffff, v0;
	_ =	sdelay $0x5  }
0x34: {  	v0, _, _ =	vpop (xrf0)  }
0x35: {  	(v2sf) =	vpush v0, $0xF;
	_ =	sdelay $0x8  }
0x36: {  	s8 =	simm.s32 $0x0  }
0x37: {  	v1 =	vld [tilespmem:s8+$0x500]  }
0x38: {  	v2 =	vld [tilespmem:s8+$0xA00]  }
0x39: {  	v3 =	vld [tilespmem:s8+$0x0]  }
0x3a: {  	v4 =	vld [tilespmem:s8+$0x1400]  }
0x3b: {  	v0 =	vld [tilespmem:s8+$0xF00]  }
0x3c: {  	s31 =	spop (v2sf)  }
0x3d: {  	p0 =	sgt.f32 s31, $2.000000030e-01;
	_ =	sdelay $0x1  }
0x3e: {  	vm0 =	vmxor vm0, vm0;
	v2 =	vsub.f32 v2, v3;
	p0 =	por !p0, !p0  }
0x3f: {  	vm1 =	vgt.f32 v4, $2.000000030e-01;
	v1 =	vsub.f32 v0, v1;
	vm0 =	vmneg @p0 vm0  }
0x40: {  	s9 =	simm.s32 $0x10;
	vm2 =	vge.f32 v2, $1.000000000e+00;
	vm1 =	vmor vm0, vm1  }
0x41: {  	v2 =	vld [tilespmem:s9+$0xA00];
	vm1 =	vmand vm1, vm2;
	vm2 =	vge.f32 v1, $1.000000000e+00  }
0x42: {  	v0 =	vld [tilespmem:s9+$0xF00];
	vm1 =	vmand vm1, vm2  }
0x43: {  	s10 =	simm.s32 $0x80;
	v1 =	vld [tilespmem:s9+$0x500];
	v3 =	vnsel vm1, $0xFF800000, v4  }
.LBB2_3:
0x44: {  	p0 =	sne.s32 s10, $0x13C0;
	v4 =	vld [tilespmem:s9+$0x0];
	[tilespmem:s8+$0x1400] =	vst v3;
	s8 =	smov.u32 s9  }
0x45: {  	v3 =	vld [tilespmem:s8+$0x1400];
	_ =	sdelay $0x3  }
0x46: {  	v2 =	vsub.f32 v2, v4  }
.Ltmp1:
0x47: {  	v1 =	vsub.f32 v0, v1;
	vm1 =	vgt.f32 v3, $2.000000030e-01;
	(pc) =	sbr.rel @p0 .LBB2_3-.Ltmp1, $4  }
0x48: {  	s9 =	sshra.s32 s10, $0x2;
	vm1 =	vmor vm0, vm1;
	vm2 =	vge.f32 v2, $1.000000000e+00  }
0x49: {  	v0 =	vld [tilespmem:s9+$0xF00];
	vm1 =	vmand vm1, vm2;
	vm2 =	vge.f32 v1, $1.000000000e+00  }
0x4a: {  	v1 =	vld [tilespmem:s9+$0x500];
	vm1 =	vmand vm1, vm2  }
0x4b: {  	s10 =	sadd.s32 $0x40, s10;
	v2 =	vld [tilespmem:s9+$0xA00];
	v3 =	vnsel vm1, $0xFF800000, v3  }
0x4c: {  	v4 =	vld [tilespmem:s9+$0x0];
	[tilespmem:s8+$0x1400] =	vst v3  }
0x4d: {  	v3 =	vld [tilespmem:s9+$0x1400];
	_ =	sdelay $0x3  }
0x4e: {  	v2 =	vsub.f32 v2, v4  }
0x4f: {  	p0 =	sne.s32 s6, $0x0;
	v0 =	vsub.f32 v0, v1;
	vm1 =	vgt.f32 v3, $2.000000030e-01  }
.Ltmp2:
0x50: {  	vm0 =	vmor vm0, vm1;
	vm14 =	vge.f32 v2, $1.000000000e+00;
	(pc) =	sbr.rel @p0 .LBB2_8-.Ltmp2, $4  }
0x51: {  	vm15 =	vge.f32 v0, $1.000000000e+00;
	vm0 =	vmand vm0, vm14  }
0x52: {  	vm0 =	vmand vm0, vm15  }
0x53: {  	v0 =	vnsel vm0, $0xFF800000, v3  }
0x54: {  	[tilespmem:s9+$0x1400] =	vst v0;
	v0 =	vlaneseq.u32  }
0x55: {  	v1 =	vimm.f32 $0.0e+00;
	s6 =	simm.s32 $0x40;
	s8 =	simm.s32 $0x0  }
.LBB2_6:
0x56: {  	p1 =	sne.s32 s6, $0xFC0;
	[tilespmem:s8+$0x1A80] =	vst v1;
	s8 =	smov.u32 s6;
	s6 =	sadd.s32 $0x40, s6  }
.Ltmp3:
0x57: {  	(pc) =	sbr.rel @p1 .LBB2_6-.Ltmp3, $2  }
0x58: {  	_ =	sdelay $0x2  }
0x59: {  	s8 =	sshra.s32 s8, $0x2  }
0x5a: {  	[tilespmem:s8+$0x1A80] =	vst v1  }
.LBB2_8:
.Ltmp4:
0x5b: {  	(pc) =	sbr.rel .LBB2_9-.Ltmp4, $4  }
0x5c: {  	v1 =	vor.u32 s2, v0;
	s6 =	sadd.s32 s7, s3;
	v2 =	vmul.u32 $0x10, v0  }
0x5d: {  	s7 =	simm.s32 $0x0;
	v4 =	vimm.f32 $0.0e+00;
	s8 =	simm.s32 $0x500;
	s9 =	simm.s32 $0xA00;
	vm0 =	vcmask $0x3F14;
	vm1 =	vcmask $0x3F10  }
0x5e: {  	s10 =	simm.s32 $0xF00;
	vm2 =	vcmask $0x3F0C;
	vm3 =	vmmov $0x1;
	s11 =	simm.s32 $0x1900;
	s12 =	simm.s32 $0x1;
	v5 =	vimm.f32 $0.0e+00  }
0x5f: {  	s13 =	simm.s32 $0x1980;
	s14 =	simm.s32 $0x1A80;
	v6 =	vimm.f32 $0.0e+00;
	v7 =	vimm.f32 $0.0e+00;
	s15 =	simm.s32 $0x0;
	v3 =	vor.u32 $0x1, v2  }
.LBB2_12:
0x60: {  	(v2sf) =	vpush v8, $0xF;
	_ =	sdelay $0xe  }
0x61: {  	s16 =	spop (v2sf)  }
0x62: {  	v8 =	vmov s15;
	s17 =	sor.u32 $0x80, s15;
	p1 =	sgt.f32 s16, $-Inf  }
0x63: {  	s18 =	simm.f32 $1.000000000e+00;
	s28 =	sor.u32 $0x100, s15;
	v9 =	vmov s17  }
0x64: {  	s29 =	sor.u32 $0x180, s15;
	v10 =	vmov s28;
	s18 =	simm.s32 @!p1 $0x0  }
0x65: {  	s30 =	sor.u32 $0x200, s15;
	v12 =	vmov s29;
	v11 =	vmul.f32 s18, v7  }
0x66: {  	s31 =	sor.u32 $0x280, s15;
	s15 =	sadd.s32 $0x1, s15;
	v14 =	vmov s30;
	v13 =	vmul.f32 s18, v6  }
0x67: {  	v15 =	vmov s31;
	s16 =	simm.s32 @!p1 $0x0;
	p1 =	seq.s32 s15, $0x64;
	[tilespmem:v8+s14+$0x0] =	vst.idx.msk $0x1, v11;
	v8 =	vmul.f32 s18, v5  }
.Ltmp5:
0x68: {  	v62 =	vmul.f32 s18, v4;
	[tilespmem:v9+s14+$0x0] =	vst.idx.msk $0x1, v13;
	(pc) =	sbr.rel @p1 .LBB2_13-.Ltmp5, $4  }
0x69: {  	[tilespmem:v10+s14+$0x0] =	vst.idx.msk $0x1, v8  }
0x6a: {  	v8 =	vmov s16;
	[tilespmem:v12+s14+$0x0] =	vst.idx.msk $0x1, v62  }
0x6b: {  	v63 =	vmov s18;
	[tilespmem:v14+s14+$0x0] =	vst.idx.msk $0x1, v8  }
0x6c: {  	[tilespmem:v15+s14+$0x0] =	vst.idx.msk $0x1, v63  }
.LBB2_9:
0x6d: {  	s18 =	simm.s32 $0x0  }
0x6e: {  	v9 =	vld [tilespmem:s18+$0x0]  }
0x6f: {  	v10 =	vld [tilespmem:s18+$0x500]  }
0x70: {  	v11 =	vld [tilespmem:s18+$0xA00]  }
0x71: {  	v12 =	vld [tilespmem:s18+$0xF00]  }
0x72: {  	v13 =	vld [tilespmem:s18+$0x10]  }
0x73: {  	v14 =	vld [tilespmem:s18+$0x510]  }
0x74: {  	v15 =	vld [tilespmem:s18+$0xA10]  }
0x75: {  	v16 =	vld [tilespmem:s18+$0xF10]  }
0x76: {  	v17 =	vld [tilespmem:s18+$0x20]  }
0x77: {  	v18 =	vld [tilespmem:s18+$0x520]  }
0x78: {  	v19 =	vld [tilespmem:s18+$0xA20]  }
0x79: {  	v8 =	vsub.f32 v5, v7;
	v20 =	vsub.f32 v4, v6;
	v21 =	vld [tilespmem:s18+$0xF20]  }
0x7a: {  	v22 =	vld [tilespmem:s18+$0x30]  }
0x7b: {  	v25 =	vld [tilespmem:s18+$0xA30];
	v8 =	vmul.f32 v20, v8  }
0x7c: {  	v26 =	vld [tilespmem:s18+$0xF30];
	v23 =	vsub.f32 v11, v9;
	v24 =	vsub.f32 v12, v10;
	v9 =	vmax.f32 v7, v9  }
0x7d: {  	v20 =	vld [tilespmem:s18+$0x530];
	v10 =	vmax.f32 v6, v10;
	v11 =	vmin.f32 v5, v11;
	v12 =	vmin.f32 v4, v12  }
0x7e: {  	v27 =	vsub.f32 v15, v13;
	v28 =	vsub.f32 v16, v14;
	v13 =	vmax.f32 v7, v13  }
0x7f: {  	v14 =	vmax.f32 v6, v14;
	v15 =	vmin.f32 v5, v15;
	v16 =	vmin.f32 v4, v16  }
0x80: {  	v29 =	vsub.f32 v19, v17;
	v30 =	vsub.f32 v21, v18;
	v17 =	vmax.f32 v7, v17  }
0x81: {  	v18 =	vmax.f32 v6, v18;
	v19 =	vmin.f32 v5, v19;
	v21 =	vmin.f32 v4, v21  }
0x82: {  	v31 =	vsub.f32 v25, v22;
	v22 =	vmax.f32 v7, v22;
	v32 =	vsub.f32 v26, v20  }
0x83: {  	v20 =	vmax.f32 v6, v20;
	v9 =	vsub.f32 v11, v9;
	v10 =	vsub.f32 v12, v10  }
0x84: {  	v11 =	vmin.f32 v5, v25;
	v12 =	vsub.f32 v15, v13;
	v13 =	vsub.f32 v16, v14  }
0x85: {  	v14 =	vmin.f32 v4, v26;
	v16 =	vsub.f32 v19, v17;
	v17 =	vsub.f32 v21, v18  }
0x86: {  	s16 =	simm.s32 $0x40;
	v19 =	vmul.f32 v24, v23;
	v21 =	vmul.f32 v28, v27;
	v11 =	vsub.f32 v11, v22  }
0x87: {  	v57 =	vld [tilespmem:s16+$0xA30];
	v23 =	vmul.f32 v30, v29;
	v14 =	vsub.f32 v14, v20;
	v24 =	vmul.f32 v32, v31  }
0x88: {  	v15 =	vld [tilespmem:s16+$0x0];
	v9 =	vmax.f32 v9, $0.0e+00;
	v10 =	vmax.f32 v10, $0.0e+00;
	v12 =	vmax.f32 v12, $0.0e+00  }
0x89: {  	v18 =	vld [tilespmem:s16+$0x500];
	v13 =	vmax.f32 v13, $0.0e+00;
	v16 =	vmax.f32 v16, $0.0e+00;
	v17 =	vmax.f32 v17, $0.0e+00  }
0x8a: {  	v25 =	vld [tilespmem:s16+$0x10];
	v9 =	vmul.f32 v10, v9;
	v10 =	vadd.f32 v19, v8;
	v11 =	vmax.f32 v11, $0.0e+00  }
0x8b: {  	v26 =	vld [tilespmem:s16+$0x510];
	v12 =	vmul.f32 v13, v12;
	v13 =	vadd.f32 v21, v8;
	v14 =	vmax.f32 v14, $0.0e+00  }
0x8c: {  	v20 =	vld [tilespmem:s16+$0xF00];
	v16 =	vmul.f32 v17, v16;
	v17 =	vadd.f32 v23, v8;
	v10 =	vsub.f32 v10, v9  }
0x8d: {  	v29 =	vld [tilespmem:s16+$0x30];
	v11 =	vmul.f32 v14, v11;
	v14 =	vadd.f32 v24, v8;
	v13 =	vsub.f32 v13, v12  }
0x8e: {  	v19 =	vld [tilespmem:s16+$0xA10];
	v17 =	vsub.f32 v17, v16;
	v10 =	vadd.f32 $9.999999710e-10, v10  }
0x8f: {  	v21 =	vld [tilespmem:s16+$0xF10];
	v14 =	vsub.f32 v14, v11;
	v13 =	vadd.f32 $9.999999710e-10, v13  }
0x90: {  	v22 =	vld [tilespmem:s16+$0xA00];
	v17 =	vadd.f32 $9.999999710e-10, v17;
	(erf) = vrcp.f32 v10  }
0x91: {  	v27 =	vld [tilespmem:s16+$0xA20];
	v30 =	vimm.s32 $0x0;
	v14 =	vadd.f32 $9.999999710e-10, v14;
	(erf) = vrcp.f32 v13  }
0x92: {  	v32 =	vmin.f32 v5, v57;
	v23 =	vld [tilespmem:s16+$0x20];
	v31 =	vsub.f32 v20, v18;
	(erf) = vrcp.f32 v17  }
0x93: {  	v20 =	vmin.f32 v4, v20;
	v38 =	vsub.f32 v57, v29;
	(erf) = vrcp.f32 v14  }
0x94: {  	v29 =	vmax.f32 v7, v29;
	v33 =	vsub.f32 v19, v25;
	v34 =	vsub.f32 v21, v26  }
0x95: {  	v25 =	vmax.f32 v7, v25;
	v26 =	vmax.f32 v6, v26;
	v13 =	vld [tilespmem:s16+$0x530];
	v17 =	vsub.f32 v22, v15  }
0x96: {  	v14 =	vmax.f32 v7, v15;
	v15 =	vmax.f32 v6, v18;
	v18 =	vmin.f32 v5, v22;
	v22 =	vld [tilespmem:s16+$0xF30]  }
0x97: {  	v37 =	vld [tilespmem:s18+$0x1400];
	v19 =	vmin.f32 v5, v19;
	v21 =	vmin.f32 v4, v21;
	v35 =	vsub.f32 v27, v23  }
0x98: {  	v41 =	vld [tilespmem:s18+$0x1410];
	v23 =	vmax.f32 v7, v23;
	v14 =	vsub.f32 v18, v14;
	v15 =	vsub.f32 v20, v15  }
0x99: {  	v58 =	vld [tilespmem:s18+$0x1420];
	v27 =	vmin.f32 v5, v27;
	v10 =	vimm.f32 $-Inf;
	v17 =	vmul.f32 v31, v17;
	v40 =	vpop (erf)  }
0x9a: {  	v59 =	vld [tilespmem:s18+$0x1430];
	v14 =	vmax.f32 v14, $0.0e+00;
	v15 =	vmax.f32 v15, $0.0e+00;
	v42 =	vpop (erf);
	v9 =	vmul.f32 v40, v9  }
0x9b: {  	v28 =	vld [tilespmem:s16+$0xF20];
	v39 =	vsub.f32 v22, v13;
	v18 =	vmin.f32 v4, v22;
	v22 =	vpop (erf);
	v12 =	vmul.f32 v42, v12  }
0x9c: {  	v24 =	vld [tilespmem:s16+$0x520];
	v15 =	vmul.f32 v15, v14;
	v16 =	vmul.f32 v22, v16;
	v20 =	vpop (erf);
	vm4 =	vgt.f32 v9, $4.000000060e-01  }
0x9d: {  	v9 =	vmul.f32 v20, v11;
	v11 =	vsel vm4, $0xFF800000, v37;
	vm4 =	vgt.f32 v12, $4.000000060e-01  }
0x9e: {  	v14 =	vadd.f32 v17, v8;
	vm6 =	vgt.f32 v16, $4.000000060e-01;
	[tilespmem:s18+$0x1400] =	vst v11;
	v16 =	vsel vm4, $0xFF800000, v41  }
0x9f: {  	vm5 =	vgt.f32 v11, v10;
	vm4 =	vgt.f32 v9, $4.000000060e-01;
	[tilespmem:s18+$0x1410] =	vst v16;
	v9 =	vsel vm6, $0xFF800000, v58  }
0xa0: {  	v13 =	vmax.f32 v6, v13;
	v40 =	vsel vm5, v11, v10;
	[tilespmem:s18+$0x1420] =	vst v9;
	v11 =	vsel vm4, $0xFF800000, v59  }
0xa1: {  	s17 =	simm.s32 $0x80;
	v36 =	vsub.f32 v28, v24;
	v24 =	vmax.f32 v6, v24;
	v13 =	vsub.f32 v18, v13;
	[tilespmem:s18+$0x1430] =	vst v11  }
0xa2: {  	v28 =	vmin.f32 v4, v28;
	v14 =	vsub.f32 v14, v15;
	v12 =	vsub.f32 v19, v25;
	v20 =	vld [tilespmem:s17+$0x0]  }
0xa3: {  	v13 =	vmax.f32 v13, $0.0e+00;
	v19 =	vsub.f32 v21, v26;
	v21 =	vsub.f32 v27, v23;
	v23 =	vld [tilespmem:s17+$0x500]  }
0xa4: {  	v14 =	vadd.f32 $9.999999710e-10, v14;
	v22 =	vsub.f32 v28, v24;
	v24 =	vmul.f32 v34, v33;
	v26 =	vld [tilespmem:s17+$0xA00]  }
0xa5: {  	v28 =	vmul.f32 v39, v38;
	v25 =	vsub.f32 v32, v29;
	v27 =	vmul.f32 v36, v35;
	v29 =	vld [tilespmem:s17+$0xF00]  }
0xa6: {  	(erf) = vrcp.f32 v14;
	vm6 =	vgt.f32 v16, v10;
	v12 =	vmax.f32 v12, $0.0e+00;
	v31 =	vld [tilespmem:s17+$0x10]  }
0xa7: {  	v18 =	vmax.f32 v19, $0.0e+00;
	v19 =	vmax.f32 v21, $0.0e+00;
	v21 =	vmax.f32 v22, $0.0e+00;
	v22 =	vld [tilespmem:s17+$0x510]  }
0xa8: {  	v17 =	vmax.f32 v25, $0.0e+00;
	v61 =	vmul.f32 v18, v12;
	v12 =	vadd.f32 v24, v8;
	v60 =	vld [tilespmem:s17+$0xA10]  }
0xa9: {  	vm4 =	vgt.f32 v9, v10;
	v62 =	vmul.f32 v21, v19;
	v18 =	vadd.f32 v27, v8;
	v24 =	vld [tilespmem:s17+$0xF10]  }
0xaa: {  	v39 =	vmul.f32 v13, v17;
	v13 =	vadd.f32 v28, v8;
	v27 =	vld [tilespmem:s17+$0x20];
	v12 =	vsub.f32 v12, v61  }
0xab: {  	v16 =	vsel vm6, v16, v10;
	v9 =	vsel vm4, v9, v10;
	v28 =	vld [tilespmem:s17+$0x520];
	v17 =	vsub.f32 v18, v62  }
0xac: {  	vm7 =	vgt.f32 v11, v10;
	v63 =	vld [tilespmem:s17+$0xA20];
	v13 =	vsub.f32 v13, v39;
	v18 =	vadd.f32 $9.999999710e-10, v12  }
0xad: {  	s19 =	simm.s32 $0x3;
	v10 =	vsel vm7, v11, v10;
	v11 =	vsel vm5, s7, v30;
	v52 =	vld [tilespmem:s17+$0xF20];
	v17 =	vadd.f32 $9.999999710e-10, v17  }
0xae: {  	s30 =	simm.s32 $0x1;
	s31 =	simm.s32 $0x2;
	v53 =	vld [tilespmem:s17+$0x30];
	v14 =	vsel vm7, s19, v30;
	v19 =	vadd.f32 $9.999999710e-10, v13;
	(erf) = vrcp.f32 v18  }
0xaf: {  	v54 =	vld [tilespmem:s17+$0x530];
	v12 =	vsel vm6, s30, v30;
	v13 =	vsel vm4, s31, v30;
	(erf) = vrcp.f32 v17  }
0xb0: {  	v55 =	vld [tilespmem:s17+$0xA30];
	v17 =	vsub.f32 v26, v20;
	v18 =	vsub.f32 v29, v23;
	(erf) = vrcp.f32 v19  }
0xb1: {  	v45 =	vld [tilespmem:s17+$0xF30];
	v56 =	vmax.f32 v7, v20;
	v43 =	vmax.f32 v6, v23;
	v44 =	vmin.f32 v5, v26  }
0xb2: {  	v46 =	vmin.f32 v4, v29;
	v20 =	vsub.f32 v24, v22;
	v47 =	vmax.f32 v7, v31  }
0xb3: {  	v25 =	vmax.f32 v6, v22;
	v48 =	vmin.f32 v5, v60;
	v29 =	vmin.f32 v4, v24  }
0xb4: {  	v21 =	vsub.f32 v63, v27;
	v22 =	vsub.f32 v52, v28;
	v26 =	vmax.f32 v7, v27  }
0xb5: {  	v49 =	vld [tilespmem:s16+$0x1400];
	v27 =	vmax.f32 v6, v28;
	v30 =	vmin.f32 v5, v63;
	v23 =	vsub.f32 v55, v53  }
0xb6: {  	v50 =	vpop (erf);
	v24 =	vsub.f32 v45, v54;
	v33 =	vmax.f32 v7, v53;
	v28 =	vmax.f32 v6, v54  }
0xb7: {  	v57 =	vld [tilespmem:s16+$0x1410];
	v34 =	vmin.f32 v5, v55;
	v35 =	vmin.f32 v4, v45;
	v15 =	vmul.f32 v50, v15;
	v51 =	vpop (erf)  }
0xb8: {  	v58 =	vld [tilespmem:s16+$0x1420];
	v19 =	vsub.f32 v60, v31;
	v31 =	vmin.f32 v4, v52;
	v32 =	vsub.f32 v44, v56;
	v59 =	vpop (erf)  }
0xb9: {  	vm4 =	vgt.f32 v15, $4.000000060e-01;
	v60 =	vmul.f32 v51, v61;
	v61 =	vld [tilespmem:s16+$0x1430];
	v38 =	vmul.f32 v59, v62;
	v62 =	vpop (erf)  }
0xba: {  	v36 =	vsub.f32 v46, v43;
	v63 =	vsel vm4, $0xFF800000, v49;
	v15 =	vmul.f32 v62, v39  }
0xbb: {  	v37 =	vsub.f32 v48, v47;
	vm4 =	vgt.f32 v63, v40;
	vm5 =	vgt.f32 v60, $4.000000060e-01  }
0xbc: {  	[tilespmem:s16+$0x1400] =	vst v63;
	vm7 =	vgt.f32 v38, $4.000000060e-01;
	v41 =	vsel vm5, $0xFF800000, v57;
	vm8 =	vgt.f32 v15, $4.000000060e-01  }
0xbd: {  	v15 =	vsel vm4, v63, v40;
	[tilespmem:s16+$0x1410] =	vst v41;
	vm6 =	vgt.f32 v41, v16;
	v38 =	vsel vm7, $0xFF800000, v58  }
0xbe: {  	s18 =	simm.s32 $0x0;
	s19 =	simm.s32 $0x300;
	v16 =	vsel vm6, v41, v16;
	[tilespmem:s16+$0x1420] =	vst v38;
	vm5 =	vgt.f32 v38, v9;
	v39 =	vsel vm8, $0xFF800000, v61  }
.LBB2_10:
0xbf: {  	p1 =	sne.s32 s19, $0x1300;
	v25 =	vsub.f32 v29, v25;
	v9 =	vsel vm5, v38, v9;
	[tilespmem:s16+$0x1430] =	vst v39;
	vm7 =	vgt.f32 v39, v10;
	s16 =	smov.u32 s17;
	s17 =	sshra.s32 s19, $0x2  }
0xc0: {  	v26 =	vsub.f32 v30, v26;
	v27 =	vsub.f32 v31, v27;
	v29 =	vld [tilespmem:s17+$0x0];
	v10 =	vsel vm7, v39, v10  }
0xc1: {  	v17 =	vmul.f32 v18, v17;
	v18 =	vmul.f32 v20, v19;
	v19 =	vsub.f32 v34, v33;
	v30 =	vld [tilespmem:s17+$0x500]  }
0xc2: {  	v21 =	vmul.f32 v22, v21;
	v22 =	vmul.f32 v24, v23;
	v23 =	vsub.f32 v35, v28;
	v20 =	vld [tilespmem:s17+$0xA00]  }
0xc3: {  	v28 =	vmax.f32 v32, $0.0e+00;
	v31 =	vmax.f32 v36, $0.0e+00;
	v32 =	vmax.f32 v37, $0.0e+00;
	v24 =	vld [tilespmem:s17+$0xF00]  }
0xc4: {  	v25 =	vmax.f32 v25, $0.0e+00;
	v26 =	vmax.f32 v26, $0.0e+00;
	v27 =	vmax.f32 v27, $0.0e+00;
	v33 =	vld [tilespmem:s17+$0x10]  }
0xc5: {  	v36 =	vmul.f32 v31, v28;
	v17 =	vadd.f32 v17, v8;
	v19 =	vmax.f32 v19, $0.0e+00;
	v34 =	vld [tilespmem:s17+$0x510]  }
0xc6: {  	v18 =	vadd.f32 v18, v8;
	v23 =	vmax.f32 v23, $0.0e+00;
	v37 =	vmul.f32 v25, v32;
	v28 =	vld [tilespmem:s17+$0xA10]  }
0xc7: {  	v21 =	vadd.f32 v21, v8;
	v38 =	vmul.f32 v27, v26;
	v17 =	vsub.f32 v17, v36;
	v31 =	vld [tilespmem:s17+$0xF10]  }
0xc8: {  	s18 =	sadd.s32 $0x4, s18;
	v39 =	vmul.f32 v23, v19;
	v19 =	vadd.f32 v22, v8;
	v18 =	vsub.f32 v18, v37;
	v26 =	vld [tilespmem:s17+$0x20]  }
0xc9: {  	v11 =	vsel vm4, s18, v11;
	s20 =	sadd.s32 $0x1, s18;
	v21 =	vsub.f32 v21, v38;
	v17 =	vadd.f32 $9.999999710e-10, v17;
	v23 =	vld [tilespmem:s17+$0x520]  }
0xca: {  	v12 =	vsel vm6, s20, v12;
	s20 =	sadd.s32 $0x2, s18;
	v19 =	vsub.f32 v19, v39;
	v18 =	vadd.f32 $9.999999710e-10, v18;
	v32 =	vld [tilespmem:s17+$0xA20]  }
0xcb: {  	v13 =	vsel vm5, s20, v13;
	s20 =	sadd.s32 $0x3, s18;
	v21 =	vadd.f32 $9.999999710e-10, v21;
	v35 =	vld [tilespmem:s17+$0xF20];
	(erf) = vrcp.f32 v17  }
0xcc: {  	v14 =	vsel vm7, s20, v14;
	v19 =	vadd.f32 $9.999999710e-10, v19;
	v40 =	vld [tilespmem:s17+$0x30];
	(erf) = vrcp.f32 v18  }
0xcd: {  	v41 =	vld [tilespmem:s17+$0x530];
	(erf) = vrcp.f32 v21  }
0xce: {  	v17 =	vsub.f32 v20, v29;
	v18 =	vsub.f32 v24, v30;
	v42 =	vld [tilespmem:s17+$0xA30];
	(erf) = vrcp.f32 v19  }
0xcf: {  	v43 =	vmax.f32 v7, v29;
	v44 =	vmax.f32 v6, v30;
	v45 =	vmin.f32 v5, v20;
	v46 =	vld [tilespmem:s17+$0xF30]  }
0xd0: {  	v47 =	vmin.f32 v4, v24;
	v20 =	vsub.f32 v31, v34;
	v19 =	vsub.f32 v28, v33  }
0xd1: {  	v48 =	vmax.f32 v7, v33;
	v25 =	vmax.f32 v6, v34;
	v49 =	vmin.f32 v5, v28  }
0xd2: {  	v29 =	vmin.f32 v4, v31;
	v21 =	vsub.f32 v32, v26;
	v22 =	vsub.f32 v35, v23  }
0xd3: {  	v27 =	vmax.f32 v6, v23;
	v26 =	vmax.f32 v7, v26;
	v30 =	vmin.f32 v5, v32  }
0xd4: {  	v31 =	vmin.f32 v4, v35;
	v23 =	vsub.f32 v42, v40;
	v24 =	vsub.f32 v46, v41;
	v50 =	vld [tilespmem:s16+$0x1400];
	v51 =	vpop (erf)  }
0xd5: {  	v33 =	vmax.f32 v7, v40;
	v28 =	vmax.f32 v6, v41;
	v34 =	vmin.f32 v5, v42;
	v40 =	vld [tilespmem:s16+$0x1410];
	v41 =	vpop (erf)  }
0xd6: {  	v32 =	vsub.f32 v45, v43;
	v35 =	vmin.f32 v4, v46;
	v42 =	vmul.f32 v51, v36;
	v43 =	vld [tilespmem:s16+$0x1420];
	v45 =	vpop (erf)  }
0xd7: {  	v36 =	vsub.f32 v47, v44;
	v41 =	vmul.f32 v41, v37;
	v38 =	vmul.f32 v45, v38;
	v44 =	vld [tilespmem:s16+$0x1430];
	v45 =	vpop (erf)  }
.Ltmp6:
0xd8: {  	v37 =	vsub.f32 v49, v48;
	vm4 =	vgt.f32 v42, $4.000000060e-01;
	v39 =	vmul.f32 v45, v39;
	(pc) =	sbr.rel @p1 .LBB2_10-.Ltmp6, $4  }
0xd9: {  	vm5 =	vgt.f32 v41, $4.000000060e-01;
	v42 =	vsel vm4, $0xFF800000, v50;
	vm7 =	vgt.f32 v38, $4.000000060e-01  }
0xda: {  	[tilespmem:s16+$0x1400] =	vst v42;
	vm4 =	vgt.f32 v42, v15;
	v40 =	vsel vm5, $0xFF800000, v40;
	vm8 =	vgt.f32 v39, $4.000000060e-01  }
0xdb: {  	v15 =	vsel vm4, v42, v15;
	[tilespmem:s16+$0x1410] =	vst v40;
	vm6 =	vgt.f32 v40, v16;
	v38 =	vsel vm7, $0xFF800000, v43  }
0xdc: {  	s19 =	sadd.s32 $0x100, s19;
	v16 =	vsel vm6, v40, v16;
	[tilespmem:s16+$0x1420] =	vst v38;
	vm5 =	vgt.f32 v38, v9;
	v39 =	vsel vm8, $0xFF800000, v44  }
0xdd: {  	v4 =	vsub.f32 v29, v25  }
0xde: {  	v5 =	vsub.f32 v30, v26;
	v6 =	vsub.f32 v31, v27  }
0xdf: {  	v7 =	vmul.f32 v18, v17;
	v50 =	vmul.f32 v20, v19;
	v51 =	vsub.f32 v34, v33  }
0xe0: {  	v52 =	vmul.f32 v22, v21;
	v53 =	vmul.f32 v24, v23;
	v54 =	vsub.f32 v35, v28  }
0xe1: {  	v55 =	vmax.f32 v32, $0.0e+00;
	v56 =	vmax.f32 v36, $0.0e+00;
	v57 =	vmax.f32 v37, $0.0e+00  }
0xe2: {  	v22 =	vmul.f32 v56, v55;
	v4 =	vmax.f32 v4, $0.0e+00;
	v5 =	vmax.f32 v5, $0.0e+00  }
0xe3: {  	v6 =	vmax.f32 v6, $0.0e+00;
	v7 =	vadd.f32 v7, v8;
	v18 =	vmax.f32 v51, $0.0e+00  }
0xe4: {  	v17 =	vadd.f32 v50, v8;
	v21 =	vmax.f32 v54, $0.0e+00;
	v4 =	vmul.f32 v4, v57  }
0xe5: {  	v5 =	vmul.f32 v6, v5;
	v6 =	vadd.f32 v52, v8;
	v7 =	vsub.f32 v7, v22  }
0xe6: {  	v18 =	vmul.f32 v21, v18;
	v8 =	vadd.f32 v53, v8;
	v17 =	vsub.f32 v17, v4  }
0xe7: {  	v6 =	vsub.f32 v6, v5;
	v7 =	vadd.f32 $9.999999710e-10, v7  }
0xe8: {  	v8 =	vsub.f32 v8, v18;
	v17 =	vadd.f32 $9.999999710e-10, v17  }
0xe9: {  	v6 =	vadd.f32 $9.999999710e-10, v6;
	(erf) = vrcp.f32 v7  }
0xea: {  	v7 =	vadd.f32 $9.999999710e-10, v8;
	(erf) = vrcp.f32 v17  }
0xeb: {  	(erf) = vrcp.f32 v6  }
0xec: {  	(erf) = vrcp.f32 v7;
	_ =	sdelay $0x3  }
0xed: {  	[tilespmem:s16+$0x1430] =	vst v39  }
0xee: {  	v8 =	vld [tilespmem:s17+$0x1410]  }
0xef: {  	vm7 =	vgt.f32 v39, v10;
	s30 =	sadd.s32 $0x4, s18;
	v6 =	vld [tilespmem:s17+$0x1400];
	v7 =	vpop (erf)  }
0xf0: {  	v9 =	vsel vm5, v38, v9;
	v10 =	vsel vm7, v39, v10;
	v11 =	vsel vm4, s30, v11;
	s18 =	sadd.s32 $0x1, s30;
	v17 =	vpop (erf)  }
0xf1: {  	s31 =	sadd.s32 $0x2, s30;
	s19 =	sadd.s32 $0x3, s30;
	v12 =	vsel vm6, s18, v12;
	v7 =	vmul.f32 v7, v22;
	v58 =	vpop (erf);
	v4 =	vmul.f32 v17, v4  }
0xf2: {  	v13 =	vsel vm5, s31, v13;
	v14 =	vsel vm7, s19, v14;
	v5 =	vmul.f32 v58, v5;
	v59 =	vpop (erf)  }
0xf3: {  	v60 =	vld [tilespmem:s17+$0x1420];
	vm4 =	vgt.f32 v7, $4.000000060e-01;
	v7 =	vmul.f32 v59, v18;
	vm5 =	vgt.f32 v4, $4.000000060e-01  }
0xf4: {  	s16 =	sadd.s32 $0x4, s30;
	v4 =	vsel vm4, $0xFF800000, v6;
	vm4 =	vgt.f32 v5, $4.000000060e-01;
	v5 =	vsel vm5, $0xFF800000, v8  }
0xf5: {  	s20 =	sadd.s32 $0x1, s16;
	vm5 =	vgt.f32 v4, v15;
	vm11 =	vgt.f32 v7, $4.000000060e-01;
	vm12 =	vgt.f32 v5, v16  }
0xf6: {  	v6 =	vsel vm5, v4, v15;
	v7 =	vsel vm5, s16, v11;
	v8 =	vsel vm12, s20, v12  }
0xf7: {  	v11 =	vld [tilespmem:s17+$0x1430];
	v61 =	vsel vm12, v5, v16;
	v7 =	vshll.u32 v7, $0x4;
	v8 =	vshll.u32 v8, $0x4  }
0xf8: {  	v62 =	vsel vm4, $0xFF800000, v60;
	vm4 =	veq.f32 v61, v6;
	vm5 =	vlt.s32 v8, v7  }
0xf9: {  	s21 =	sadd.s32 $0x2, s16;
	vm13 =	vgt.f32 v62, v9;
	vm4 =	vmand vm4, vm5;
	vm5 =	vgt.f32 v61, v6  }
0xfa: {  	v9 =	vsel vm13, v62, v9;
	v13 =	vsel vm13, s21, v13;
	vm4 =	vmor vm5, vm4  }
0xfb: {  	v6 =	vsel vm4, v61, v6;
	v7 =	vsel vm4, v8, v7;
	v8 =	vshll.u32 v13, $0x4  }
0xfc: {  	v11 =	vsel vm11, $0xFF800000, v11;
	vm4 =	veq.f32 v9, v6;
	vm5 =	vlt.s32 v8, v7  }
0xfd: {  	s16 =	sadd.s32 $0x3, s16;
	vm6 =	vgt.f32 v11, v10;
	vm14 =	vgt.f32 v9, v6;
	vm4 =	vmand vm4, vm5  }
0xfe: {  	v10 =	vsel vm6, v11, v10;
	v63 =	vsel vm6, s16, v14;
	vm4 =	vmor vm14, vm4  }
0xff: {  	v6 =	vsel vm4, v9, v6;
	v7 =	vsel vm4, v8, v7;
	v8 =	vshll.u32 v63, $0x4  }
0x100: {  	vm4 =	veq.f32 v10, v6;
	vm5 =	vlt.s32 v8, v7  }
0x101: {  	vm15 =	vgt.f32 v10, v6;
	vm4 =	vmand vm4, vm5  }
0x102: {  	vm4 =	vmor vm15, vm4  }
0x103: {  	v6 =	vsel vm4, v10, v6  }
0x104: {  	(xrf0) =	vmax.scan.msk.f32 $0xffff, v6;
	_ =	sdelay $0x5  }
0x105: {  	v9, _, _ =	vpop (xrf0)  }
0x106: {  	v7 =	vsel vm4, v8, v7;
	v8 =	vbroadcast v9, $0xF  }
0x107: {  	v7 =	vadd.s32 v7, v1  }
0x108: {  	vm4 =	veq.f32 v6, v8;
	v6 =	vxor.u32 $0x80000000, v7  }
0x109: {  	v6 =	vnsel vm4, $0xC0000000, v6  }
0x10a: {  	(xrf0) =	vmin.scan.msk.u32 $0xffff, v6;
	_ =	sdelay $0x5  }
0x10b: {  	v6, _, _ =	vpop (xrf0)  }
0x10c: {  	(v2sf) =	vpush v6, $0xF;
	_ =	sdelay $0xe  }
0x10d: {  	s22 =	spop (v2sf)  }
0x10e: {  	s16 =	sxor.u32 $0x80000000, s22  }
0x10f: {  	s18 =	ssub.s32 s16, s2  }
0x110: {  	p1 =	sgt.s32 s18, $0x0  }
0x111: {  	s18 =	simm.s32 @!p1 $0x0  }
0x112: {  	s18 =	smin.u32 s18, $0x4FF  }
0x113: {  	v6 =	vmov s18  }
0x114: {  	v6 =	vbroadcast v6, $0x0;
	_ =	sdelay $0x1  }
0x115: {  	[tilespmem:s17+$0x1400] =	vst v4  }
0x116: {  	[tilespmem:s17+$0x1410] =	vst v5  }
0x117: {  	[tilespmem:s17+$0x1420] =	vst v62  }
0x118: {  	[tilespmem:s17+$0x1430] =	vst v11  }
0x119: {  	v4 =	vld.idx.msk [tilespmem:v6+s9+$0x0], $0xffff  }
0x11a: {  	v5 =	vld.idx.msk [tilespmem:v6+s10+$0x0], $0xffff  }
0x11b: {  	v7 =	vld.idx.msk [tilespmem:v6+s8+$0x0], $0xffff  }
0x11c: {  	v6 =	vld.idx.msk [tilespmem:v6+s7+$0x0], $0xffff;
	_ =	sdelay $0x2  }
0x11d: {  	v4 =	vsel vm0, v5, v4  }
0x11e: {  	s16 =	scvt.s32.f32 s16;
	v4 =	vsel vm1, v4, v7  }
0x11f: {  	vm4 =	veq.s32 v0, $0x1;
	v4 =	vsel vm2, v4, v6  }
0x120: {  	s23 =	sand.u32 $0x1, s15;
	v4 =	vsel vm4, s16, v4  }
0x121: {  	p1 =	seq.s32 s23, $0x1;
	s16 =	smov.u32 s5;
	v4 =	vsel vm3, v8, v4  }
0x122: {  	s16 =	smov.u32 @p1 s6;
	[tilespmem:$0x1900] =	vst v4  }
0x123: {  	[spmem:s16] =	stream.linear.scatter [tilespmem:s11], [sflag:$0x1], $0x10, $0x38;
	[tilespmem:$0x1EA0] =	vst v63  }
0x124: {  	_ =	swait.ge [sflag:s12], $0x10  }
0x125: {  	[sflag:s12] =	ssyncset.done $0x0  }
0x126: {  	s16 =	smov.u32 s1;
	[sflag:s12] =	ssyncadd.s32 $0xFFFFFFF0  }
0x127: {  	s16 =	smov.u32 @p1 s3;
	[bflag:$0x0] =	sbarrier.arrive $0xFFFF  }
0x128: {  	[tilespmem:s13], [sflag:$0x1] =	stream.linear.gather [spmem:s16], $0x100, $0x38;
	[tilespmem:$0x1EA0] =	vst v63  }
0x129: {  	_ =	swait.ge [sflag:s12], $0x100  }
0x12a: {  	[sflag:s12] =	ssyncset.done $0x0  }
0x12b: {  	[sflag:s12] =	ssyncadd.s32 $0xFFFFFF00  }
0x12c: {  	v4 =	vld.idx.msk [tilespmem:v2+s13+$0x0], $0xffff;
	_ =	sdelay $0x4  }
0x12d: {  	(xrf0) =	vmax.scan.msk.f32 $0xffff, v4;
	_ =	sdelay $0x4  }
0x12e: {  	v5 =	vld.idx.msk [tilespmem:v3+s13+$0x0], $0xffff  }
0x12f: {  	v8, _, _ =	vpop (xrf0)  }
0x130: {  	v6 =	vbroadcast v8, $0xF;
	_ =	sdelay $0x1  }
0x131: {  	vm4 =	veq.f32 v4, v6  }
0x132: {  	v4 =	vnsel vm4, $0x7149F2CA, v5  }
0x133: {  	(xrf0) =	vmin.scan.msk.f32 $0xffff, v4;
	_ =	sdelay $0x5  }
0x134: {  	v4, _, _ =	vpop (xrf0)  }
0x135: {  	(v2sf) =	vpush v4, $0xF;
	_ =	sdelay $0xe  }
0x136: {  	s24 =	spop (v2sf)  }
0x137: {  	s16 =	smax.f32 s24, $0.0e+00  }
0x138: {  	s16 =	smin.f32 s16, $2.047900000e+04  }
0x139: {  	s16 =	scvt.f32.s32 s16;
	_ =	sdelay $0x1  }
0x13a: {  	s25 =	smulhi.u32 $0x66666667, s16;
	s26 =	sshra.s32 s16, $0x1F  }
0x13b: {  	s18 =	smul.u32 $0x66666667, s26;
	_ =	sdelay $0x1  }
0x13c: {  	s17 =	sadd.s32 s18, s25  }
0x13d: {  	s18 =	sshrl.u32 s17, $0x1F;
	s17 =	sshra.s32 s17, $0x9  }
0x13e: {  	s17 =	sadd.s32 s18, s17  }
0x13f: {  	s18 =	smul.u32 $0xFFFFFB00, s17  }
0x140: {  	s28 =	ssub.s32 $0x0, s16  }
0x141: {  	p6 =	slt.s32 s16, $0x1;
	p2 =	sne.s32 s18, s28  }
0x142: {  	p1 =	por !p6, !p2  }
0x143: {  	s16 =	simm.s32 $0x1;
	p1 =	por !p1, !p1  }
0x144: {  	s16 =	simm.s32 @!p1 $0x0  }
0x145: {  	s16 =	ssub.s32 s17, s16  }
0x146: {  	s16 =	sshll.u32 s16, $0x4  }
0x147: {  	s29 =	sor.u32 $0x2, s16  }
0x148: {  	s30 =	sor.u32 $0x3, s16;
	v4 =	vmov s29  }
0x149: {  	s31 =	sor.u32 $0x4, s16;
	v5 =	vmov s30;
	v4 =	vbroadcast v4, $0x0  }
0x14a: {  	s16 =	sor.u32 $0x5, s16;
	v6 =	vmov s31;
	v5 =	vbroadcast v5, $0x0  }
0x14b: {  	v9 =	vbroadcast v6, $0x0;
	v6 =	vmov s16  }
0x14c: {  	v10 =	vbroadcast v6, $0x0;
	_ =	sdelay $0x1  }
.Ltmp7:
0x14d: {  	_ = 	snop;
	(pc) =	sbr.rel @!p0 .LBB2_12-.Ltmp7, $4  }
0x14e: {  	v7 =	vld.idx.msk [tilespmem:v4+s13+$0x0], $0xffff  }
0x14f: {  	v6 =	vld.idx.msk [tilespmem:v5+s13+$0x0], $0xffff  }
0x150: {  	v5 =	vld.idx.msk [tilespmem:v9+s13+$0x0], $0xffff  }
0x151: {  	v4 =	vld.idx.msk [tilespmem:v10+s13+$0x0], $0xffff  }
0x152: {  	s15 =	sadd.s32 $0x1, s15  }
0x153: {  	p1 =	seq.s32 s15, $0x64  }
.Ltmp8:
0x154: {  	_ = 	snop;
	(pc) =	sbr.rel @!p1 .LBB2_9-.Ltmp8, $4  }
.Ltmp9:
0x155: {  	_ = 	snop;
	(pc) =	sbr.rel @p1 .LBB2_14-.Ltmp9, $4  }
0x156: {  	_ = 	snop  }
0x157: {  	_ = 	snop  }
0x158: {  	_ = 	snop  }
0x159: {  	_ = 	snop  }
.LBB2_13:
0x15a: {  	s1 =	simm.s32 $0x0;
	s2 =	simm.s32 $0x1A80;
	s31 =	simm.s32 $0x1  }
0x15b: {  	[hbm4b:s4+s1] =	stream.linear.scatter [tilespmem:s2], [sflag:$0x1], $0x400, $0x38;
	[tilespmem:$0x1EA0] =	vst v63  }
0x15c: {  	_ =	swait.ge [sflag:s31], $0x400  }
0x15d: {  	[sflag:s31] =	ssyncset.done $0x0  }
0x15e: {  	[sflag:s31] =	ssyncadd.s32 $0xFFFFFC00  }
.LBB2_14:
0x15f: {  	_ =	sfence.sel $0x180000  }
0x160: {  	[bflag:$0x0] =	sbarrier.arrive $0xFFFF  }
0x161: {  	_ =	strace $0x90000047  }
0x162: {  	s0 =	sadd.s32 @!p0 $0x100000, s0;
	[bflag:$0x2] =	sbarrier.arrive $0xFFFF  }
0x163: {  	[sflag:s0] =	ssyncadd.tile.s32 @!p0 $0x1;
	_ =	shalt  }
.Lfunc_end2:
_tile_overlayer_lowered:
.L_overlay_start_2:
0x164: {  	(tag) =	ssettag $0x2  }
0x165: {  	s0 =	rddreg [dreg:$0x0];
	s2 =	stileid.u32  }
0x166: {  	s1 =	rddreg [dreg:$0x1];
	p0 =	sne.s32 s2, $0x0  }
0x167: {  	s3 =	rddreg [dreg:$0x2];
	[bflag:$0x3] =	sbarrier.arrive $0xFFFF;
	s2 =	simm.s32 @!p0 $0x1C01  }
0x168: {  	[timem:s3], [sflag:s2] =	dma.local @!p0 [hbm:s0], s1  }
0x169: {  	s0 =	simm.s32 @!p0 $0x1  }
0x16a: {  	_ =	swait.ge @!p0 [sflag:s0], s1  }
0x16b: {  	s1 =	ssub.s32 @!p0 $0x0, s1;
	[sflag:s0] =	ssyncset.done @!p0 $0x0  }
0x16c: {  	[sflag:s0] =	ssyncadd.s32 @!p0 s1  }
0x16d: {  	[bflag:$0x3] =	sbarrier.arrive $0xFFFF  }
0x16e: {  	_ =	shalt  }

</sc_bundles>
